<compile_context>
chip_gen: v7x
topology: tpu7x:2x2x1
jax: 0.10.2.dev20260603
libtpu: 0.0.44.dev20260713+nightly
codegen_flags: <defaults>
</compile_context>

<pallas_src>
import functools

import jax
import jax.numpy as jnp
from jax import lax
from jax.experimental import pallas as pl
from jax.experimental.pallas import tpu as pltpu
from jax.experimental.pallas import tpu_sc as plsc

N = 10000
D = 128
TD = 768
E = 320000
EPS = 1e-5

NC = 2
NS = 16
NW = NC * NS
L = 16

NACC = 10240

K = 128
NCH = 80
EP = K * NCH
E2 = NW * EP
PADE = E2 - E

RPT = NACC // NS
SR = 128

BN = 400
NBLK = N // BN

def _deg_body(dst_r, out, dst_all_v, ones_v, acc, semA, semB):
    c = lax.axis_index("c")
    s = lax.axis_index("s")
    w = c * NS + s
    zeros16 = jnp.zeros((L,), jnp.float32)
    ones16 = jnp.ones((L,), jnp.float32)

    def fill0(i, carry):
        for j in range(D // L):
            ones_v[i, pl.ds(j * L, L)] = zeros16
        return carry

    lax.fori_loop(0, K, fill0, 0)
    for t in range(RPT // K):
        pltpu.sync_copy(ones_v, acc.at[pl.ds(s * RPT + t * K, K)])

    def fill1(i, carry):
        for j in range(D // L):
            ones_v[i, pl.ds(j * L, L)] = ones16
        return carry

    lax.fori_loop(0, K, fill1, 0)
    pltpu.sync_copy(dst_r.at[w], dst_all_v)
    plsc.subcore_barrier()

    def chunk(p, carry):
        i0 = 2 * p
        dA = pltpu.async_copy(ones_v, acc.at[dst_all_v.at[i0]], semA, add=True)
        dB = pltpu.async_copy(ones_v, acc.at[dst_all_v.at[i0 + 1]], semB,
                              add=True)
        dA.wait()
        dB.wait()
        return carry

    lax.fori_loop(0, NCH // 2, chunk, 0)
    plsc.subcore_barrier()
    r0 = s * RPT
    pltpu.sync_copy(acc.at[pl.ds(r0, RPT)], out.at[c, pl.ds(r0, RPT)])


def _prop_body(h, src_flat, dst_flat, out, src_v, dstA, dstB, rowsA, rowsB,
               acc, semA, semB):
    c = lax.axis_index("c")
    s = lax.axis_index("s")
    w = c * NS + s

    zeros16 = jnp.zeros((L,), jnp.float32)

    def zero(i, carry):
        for j in range(D // L):
            rowsA[i, pl.ds(j * L, L)] = zeros16
        return carry

    lax.fori_loop(0, K, zero, 0)
    for t in range(RPT // K):
        pltpu.sync_copy(rowsA, acc.at[pl.ds(s * RPT + t * K, K)])

    pltpu.sync_copy(src_flat.at[pl.ds(w * EP, EP)], src_v)

    plsc.subcore_barrier()

    def g_desc(i, buf, sem):
        return pltpu.make_async_copy(h.at[src_v.at[pl.ds(i * K, K)]], buf, sem)

    base_w = w * EP
    pltpu.sync_copy(dst_flat.at[pl.ds(base_w, K)], dstA.at[0])
    pltpu.async_copy(h.at[src_v.at[pl.ds(0, K)]], rowsA, semA)

    def chunk(p, carry):
        i0 = 2 * p
        i1 = i0 + 1
        pltpu.async_copy(h.at[src_v.at[pl.ds(i1 * K, K)]], rowsB, semB)
        pltpu.sync_copy(dst_flat.at[pl.ds(base_w + i1 * K, K)], dstB.at[0])
        g_desc(i0, rowsA, semA).wait()
        pltpu.sync_copy(rowsA, acc.at[dstA.at[0]], add=True)

        @pl.when(p < NCH // 2 - 1)
        def _():
            pltpu.async_copy(h.at[src_v.at[pl.ds((i0 + 2) * K, K)]], rowsA,
                             semA)
            pltpu.sync_copy(dst_flat.at[pl.ds(base_w + (i0 + 2) * K, K)],
                            dstA.at[0])

        g_desc(i1, rowsB, semB).wait()
        pltpu.sync_copy(rowsB, acc.at[dstB.at[0]], add=True)
        return carry

    lax.fori_loop(0, NCH // 2, chunk, 0)

    plsc.subcore_barrier()

    r0 = s * RPT
    pltpu.sync_copy(acc.at[pl.ds(r0, RPT)], out.at[c, pl.ds(r0, RPT)])


@functools.cache
def _sc_kernels():
    mesh = plsc.VectorSubcoreMesh(core_axis_name="c", subcore_axis_name="s",
                                  num_cores=NC, num_subcores=NS)
    deg = pl.kernel(
        _deg_body,
        out_type=jax.ShapeDtypeStruct((NC, NACC, D), jnp.float32),
        mesh=mesh,
        scratch_types=[
            pltpu.VMEM((NCH, K), jnp.int32),
            pltpu.VMEM((K, D), jnp.float32),
            pltpu.VMEM_SHARED((NACC, D), jnp.float32),
            pltpu.SemaphoreType.DMA,
            pltpu.SemaphoreType.DMA,
        ],
    )
    prop = pl.kernel(
        _prop_body,
        out_type=jax.ShapeDtypeStruct((NC, NACC, D), jnp.float32),
        mesh=mesh,
        scratch_types=[
            pltpu.VMEM((EP,), jnp.int32),
            pltpu.VMEM((1, K), jnp.int32),
            pltpu.VMEM((1, K), jnp.int32),
            pltpu.VMEM((K, D), jnp.float32),
            pltpu.VMEM((K, D), jnp.float32),
            pltpu.VMEM_SHARED((NACC, D), jnp.float32),
            pltpu.SemaphoreType.DMA,
            pltpu.SemaphoreType.DMA,
        ],
    )
    return deg, prop


def _stats_body(x_ref, o_ref):
    i = pl.program_id(0)
    xb = x_ref[...]
    s1 = jnp.sum(xb, axis=0, keepdims=True)
    s2 = jnp.sum(xb * xb, axis=0, keepdims=True)
    upd = jnp.concatenate([s1, s2, jnp.zeros((6, D), jnp.float32)], axis=0)

    @pl.when(i == 0)
    def _():
        o_ref[...] = upd

    @pl.when(i > 0)
    def _():
        o_ref[...] = o_ref[...] + upd


def _stats(x):
    return pl.pallas_call(
        _stats_body,
        grid=(NBLK,),
        in_specs=[pl.BlockSpec((BN, D), lambda i: (i, 0))],
        out_specs=pl.BlockSpec((8, D), lambda i: (0, 0)),
        out_shape=jax.ShapeDtypeStruct((8, D), jnp.float32),
    )(x)


def _dis_of(degp_ref):
    deg = degp_ref[0, :, 0:1] + degp_ref[1, :, 0:1] + 1.0
    return lax.rsqrt(deg)


_DEG_SPEC = lambda: pl.BlockSpec((NC, BN, D), lambda i: (0, i, 0))


def _apply_body(x_ref, degp_ref, sc_ref, o_ref):
    dis = _dis_of(degp_ref)
    a = sc_ref[0:1, :]
    b = sc_ref[1:2, :]
    o_ref[...] = dis * (a * x_ref[...] + b)


def _apply(x, degp, scal):
    return pl.pallas_call(
        _apply_body,
        grid=(NBLK,),
        in_specs=[
            pl.BlockSpec((BN, D), lambda i: (i, 0)),
            _DEG_SPEC(),
            pl.BlockSpec((8, D), lambda i: (0, 0)),
        ],
        out_specs=pl.BlockSpec((BN, D), lambda i: (i, 0)),
        out_shape=jax.ShapeDtypeStruct((N, D), jnp.float32),
    )(x, degp, scal)


def _layer1_body(p_ref, hs_ref, degp_ref, w_ref, b_ref, o_ref):
    dis = _dis_of(degp_ref)
    z = dis * (p_ref[0] + p_ref[1] + hs_ref[...])
    y = jnp.dot(z.astype(jnp.bfloat16), w_ref[...],
                preferred_element_type=jnp.float32)
    y = jnp.maximum(y + b_ref[0:1, :], 0.0)
    o_ref[...] = dis * y


def _layer1(parts, hs, degp, Wt, b8):
    return pl.pallas_call(
        _layer1_body,
        grid=(NBLK,),
        in_specs=[
            pl.BlockSpec((NC, BN, D), lambda i: (0, i, 0)),
            pl.BlockSpec((BN, D), lambda i: (i, 0)),
            _DEG_SPEC(),
            pl.BlockSpec((D, D), lambda i: (0, 0)),
            pl.BlockSpec((8, D), lambda i: (0, 0)),
        ],
        out_specs=pl.BlockSpec((BN, D), lambda i: (i, 0)),
        out_shape=jax.ShapeDtypeStruct((N, D), jnp.float32),
    )(parts, hs, degp, Wt, b8)


def _head_body(p_ref, hs_ref, degp_ref, w2_ref, b2_ref, wp1_ref, bp1_ref,
               wp2_ref, bp2_ref, o_ref):
    dis = _dis_of(degp_ref)
    z = dis * (p_ref[0] + p_ref[1] + hs_ref[...])
    h2 = jnp.dot(z.astype(jnp.bfloat16), w2_ref[...],
                 preferred_element_type=jnp.float32)
    h2 = jnp.maximum(h2 + b2_ref[0:1, :], 0.0)
    q = jnp.dot(h2.astype(jnp.bfloat16), wp1_ref[...],
                preferred_element_type=jnp.float32)
    q = q + bp1_ref[0:1, :]
    g = 0.5 * q * (1.0 + lax.erf(q * 0.7071067811865476))
    o = jnp.dot(g.astype(jnp.bfloat16), wp2_ref[...],
                preferred_element_type=jnp.float32)
    o_ref[...] = o + bp2_ref[0:1, :]


def _head(parts, hs, degp, W2t, b28, Wp1t, bp18, Wp2t, bp28):
    return pl.pallas_call(
        _head_body,
        grid=(NBLK,),
        in_specs=[
            pl.BlockSpec((NC, BN, D), lambda i: (0, i, 0)),
            pl.BlockSpec((BN, D), lambda i: (i, 0)),
            _DEG_SPEC(),
            pl.BlockSpec((D, D), lambda i: (0, 0)),
            pl.BlockSpec((8, D), lambda i: (0, 0)),
            pl.BlockSpec((D, TD), lambda i: (0, 0)),
            pl.BlockSpec((8, TD), lambda i: (0, 0)),
            pl.BlockSpec((TD, TD), lambda i: (0, 0)),
            pl.BlockSpec((8, TD), lambda i: (0, 0)),
        ],
        out_specs=pl.BlockSpec((BN, TD), lambda i: (i, 0)),
        out_shape=jax.ShapeDtypeStruct((N, TD), jnp.float32),
    )(parts, hs, degp, W2t, b28, Wp1t, bp18, Wp2t, bp28)


def _pad8(v):
    return jnp.broadcast_to(v[None, :], (8, v.shape[0]))


def kernel(x, edge_index, gn_weight, gn_bias, gn_mean_scale, W1, b1, W2, b2,
           Wp1, bp1, Wp2, bp2):
    deg_sc, prop_sc = _sc_kernels()
    pad_src = jnp.arange(PADE, dtype=jnp.int32) % N
    src_flat = jnp.concatenate([edge_index[0], pad_src])
    pad_dst = N + (jnp.arange(PADE, dtype=jnp.int32) % (NACC - N))
    dst_flat = jnp.concatenate([edge_index[1], pad_dst])
    dst_r = dst_flat.reshape(NW, NCH, K)

    degp = deg_sc(dst_r)

    sums = _stats(x)
    mean = sums[0:1, :] / N
    ex2 = sums[1:2, :] / N
    ms = gn_mean_scale[None, :]
    var = ex2 - (2.0 * ms - ms * ms) * mean * mean
    a = gn_weight[None, :] * lax.rsqrt(var + EPS)
    c = gn_bias[None, :] - a * ms * mean
    scal = jnp.concatenate([a, c, jnp.zeros((6, D), jnp.float32)], axis=0)

    h0s = _apply(x, degp, scal)
    p1 = prop_sc(h0s, src_flat, dst_flat)
    bf = jnp.bfloat16
    h1s = _layer1(p1, h0s, degp, W1.T.astype(bf), _pad8(b1))
    p2 = prop_sc(h1s, src_flat, dst_flat)
    out = _head(p2, h1s, degp, W2.T.astype(bf), _pad8(b2),
                Wp1.T.astype(bf), _pad8(bp1), Wp2.T.astype(bf), _pad8(bp2))
    return out

# --- scband reference (transcript-rebuilt; emitter-appended) ---
"""Pipeline reference for scband-sgc-67413806678511 (READ-ONLY COPY).

The authoritative reference and input builder live on the scoring server;
editing this copy changes nothing except your own understanding.
"""

import jax, jax.numpy as jnp
import numpy as np

N = 10000
D = 128
T = 768
E = 320000
EPS = 1e-5


def setup_inputs(seed: int = 0) -> dict:
    key = jax.random.key(seed)
    ks = jax.random.split(key, 12)
    inp = {}
    inp["x"] = jax.random.normal(ks[0], (N, D), dtype=jnp.float32)
    inp["edge_index"] = jax.random.randint(ks[1], (2, E), 0, N, dtype=jnp.int32)
    # GraphNorm params
    inp["gn_weight"] = jnp.ones((D,), jnp.float32)
    inp["gn_bias"] = jnp.zeros((D,), jnp.float32)
    inp["gn_mean_scale"] = jnp.ones((D,), jnp.float32)
    # SGConv linear params (K=1, lin applied after propagation)
    inp["W1"] = jax.random.normal(ks[2], (D, D), jnp.float32) * (1.0 / np.sqrt(D))
    inp["b1"] = jnp.zeros((D,), jnp.float32)
    inp["W2"] = jax.random.normal(ks[3], (D, D), jnp.float32) * (1.0 / np.sqrt(D))
    inp["b2"] = jnp.zeros((D,), jnp.float32)
    # Projector params
    inp["Wp1"] = jax.random.normal(ks[4], (T, D), jnp.float32) * (1.0 / np.sqrt(D))
    inp["bp1"] = jnp.zeros((T,), jnp.float32)
    inp["Wp2"] = jax.random.normal(ks[5], (T, T), jnp.float32) * (1.0 / np.sqrt(T))
    inp["bp2"] = jnp.zeros((T,), jnp.float32)
    return inp


def _graph_norm(x, weight, bias, mean_scale):
    # PyG GraphNorm, single graph: per-feature mean over nodes
    mean = jnp.mean(x, axis=0, keepdims=True)
    out = x - mean_scale * mean
    var = jnp.mean(out * out, axis=0, keepdims=True)
    return weight * out / jnp.sqrt(var + EPS) + bias


def _sgconv(x, edge_index, W, b):
    # PyG SGConv with K=1: gcn_norm (add self loops, sym norm) then propagate, then linear
    n = x.shape[0]
    loop = jnp.arange(n, dtype=edge_index.dtype)
    src = jnp.concatenate([edge_index[0], loop])
    dst = jnp.concatenate([edge_index[1], loop])
    ew = jnp.ones(src.shape[0], dtype=x.dtype)
    deg = jax.ops.segment_sum(ew, dst, num_segments=n)
    dis = jnp.where(deg > 0, 1.0 / jnp.sqrt(deg), 0.0)
    norm = dis[src] * ew * dis[dst]
    msg = norm[:, None] * jnp.take(x, src, axis=0)
    out = jax.ops.segment_sum(msg, dst, num_segments=n)
    return out @ W.T + b


def reference(x, edge_index, gn_weight, gn_bias, gn_mean_scale, W1, b1, W2, b2, Wp1, bp1, Wp2, bp2):
    h = _graph_norm(x, gn_weight, gn_bias, gn_mean_scale)
    h = _sgconv(h, edge_index, W1, b1)
    h = jax.nn.relu(h)
    # dropout: identity in eval mode
    h = _sgconv(h, edge_index, W2, b2)
    h = jax.nn.relu(h)
    # projector
    h = h @ Wp1.T + bp1
    h = jax.nn.gelu(h, approximate=False)
    h = h @ Wp2.T + bp2
    return h

if __name__ == "__main__":
    import jax
    _d = setup_inputs()
    print(jax.jit(kernel)(*tuple(_d.values())))

</pallas_src>

<mosaic_0001>
#map = affine_map<(d0, d1) -> (0, 0, 0)>
module attributes {stable_mosaic.version = 14 : i64} {
  func.func @_deg_body(%arg0: i32, %arg1: i32, %arg2: memref<32x80x128xi32, #tpu.memory_space<hbm>>, %arg3: memref<2x10240x128xf32, #tpu.memory_space<hbm>>, %arg4: memref<80x128xi32, #tpu.memory_space<vmem>>, %arg5: memref<128x128xf32, #tpu.memory_space<vmem>>, %arg6: memref<10240x128xf32, #tpu.memory_space<vmem_shared>>, %arg7: memref<!tpu.dma_semaphore, #tpu.memory_space<semaphore_mem>>, %arg8: memref<!tpu.dma_semaphore, #tpu.memory_space<semaphore_mem>>) attributes {dimension_semantics = [#tpu.dimension_semantics<core_parallel>, #tpu.dimension_semantics<subcore_parallel>], iteration_bounds = array<i64: 2, 16>, scalar_prefetch = 0 : i64, scratch_operands = 5 : i64, tpu.core_type = #tpu.core_type<sc_vector_subcore>, window_params = [{transform_indices = #map}, {transform_indices = #map}]} {
    %mul3A = arith.constant 16 : i32
    %mul3A_0 = arith.muli %arg0, %mul3A : i32
    %add3A = arith.addi %mul3A_0, %arg1 : i32
    %broadcast_in_dim3A = arith.constant 0.000000e+00 : f32
    %broadcast_in_dim3A_1 = vector.broadcast %broadcast_in_dim3A : f32 to vector<16xf32>
    %broadcast_in_dim3A_2 = arith.constant 1.000000e+00 : f32
    %broadcast_in_dim3A_3 = vector.broadcast %broadcast_in_dim3A_2 : f32 to vector<16xf32>
    %scan3A = arith.constant 0 : i32
    %scan3A_4 = arith.constant 0 : i32
    %scan3A_5 = arith.constant 128 : i32
    %scan3A_6 = arith.addi %scan3A_4, %scan3A_5 : i32
    %scan3A_7 = arith.constant 1 : i32
    scf.for %scan3A_44 = %scan3A_4 to %scan3A_6 step %scan3A_7  : i32 {
      %swap3A = arith.index_cast %scan3A_44 : i32 to index
      %swap3A_45 = arith.constant 0 : index
      %swap3A_46 = tpu.vector_load %arg5[%swap3A, %swap3A_45] {strides = array<i32>} : memref<128x128xf32, #tpu.memory_space<vmem>>, vector<1x16xf32>,
      %swap3A_47 = vector.shape_cast %swap3A_46 : vector<1x16xf32> to vector<16xf32>
      %swap3A_48 = vector.shape_cast %broadcast_in_dim3A_1 : vector<16xf32> to vector<1x16xf32>
      tpu.vector_store %arg5[%swap3A, %swap3A_45], %swap3A_48 {strides = array<i32>} : memref<128x128xf32, #tpu.memory_space<vmem>>, vector<1x16xf32>,
      %swap3A_49 = arith.index_cast %scan3A_44 : i32 to index
      %swap3A_50 = arith.constant 16 : index
      %swap3A_51 = tpu.vector_load %arg5[%swap3A_49, %swap3A_50] {strides = array<i32>} : memref<128x128xf32, #tpu.memory_space<vmem>>, vector<1x16xf32>,
      %swap3A_52 = vector.shape_cast %swap3A_51 : vector<1x16xf32> to vector<16xf32>
      %swap3A_53 = vector.shape_cast %broadcast_in_dim3A_1 : vector<16xf32> to vector<1x16xf32>
      tpu.vector_store %arg5[%swap3A_49, %swap3A_50], %swap3A_53 {strides = array<i32>} : memref<128x128xf32, #tpu.memory_space<vmem>>, vector<1x16xf32>,
      %swap3A_54 = arith.index_cast %scan3A_44 : i32 to index
      %swap3A_55 = arith.constant 32 : index
      %swap3A_56 = tpu.vector_load %arg5[%swap3A_54, %swap3A_55] {strides = array<i32>} : memref<128x128xf32, #tpu.memory_space<vmem>>, vector<1x16xf32>,
      %swap3A_57 = vector.shape_cast %swap3A_56 : vector<1x16xf32> to vector<16xf32>
      %swap3A_58 = vector.shape_cast %broadcast_in_dim3A_1 : vector<16xf32> to vector<1x16xf32>
      tpu.vector_store %arg5[%swap3A_54, %swap3A_55], %swap3A_58 {strides = array<i32>} : memref<128x128xf32, #tpu.memory_space<vmem>>, vector<1x16xf32>,
      %swap3A_59 = arith.index_cast %scan3A_44 : i32 to index
      %swap3A_60 = arith.constant 48 : index
      %swap3A_61 = tpu.vector_load %arg5[%swap3A_59, %swap3A_60] {strides = array<i32>} : memref<128x128xf32, #tpu.memory_space<vmem>>, vector<1x16xf32>,
      %swap3A_62 = vector.shape_cast %swap3A_61 : vector<1x16xf32> to vector<16xf32>
      %swap3A_63 = vector.shape_cast %broadcast_in_dim3A_1 : vector<16xf32> to vector<1x16xf32>
      tpu.vector_store %arg5[%swap3A_59, %swap3A_60], %swap3A_63 {strides = array<i32>} : memref<128x128xf32, #tpu.memory_space<vmem>>, vector<1x16xf32>,
      %swap3A_64 = arith.index_cast %scan3A_44 : i32 to index
      %swap3A_65 = arith.constant 64 : index
      %swap3A_66 = tpu.vector_load %arg5[%swap3A_64, %swap3A_65] {strides = array<i32>} : memref<128x128xf32, #tpu.memory_space<vmem>>, vector<1x16xf32>,
      %swap3A_67 = vector.shape_cast %swap3A_66 : vector<1x16xf32> to vector<16xf32>
      %swap3A_68 = vector.shape_cast %broadcast_in_dim3A_1 : vector<16xf32> to vector<1x16xf32>
      tpu.vector_store %arg5[%swap3A_64, %swap3A_65], %swap3A_68 {strides = array<i32>} : memref<128x128xf32, #tpu.memory_space<vmem>>, vector<1x16xf32>,
      %swap3A_69 = arith.index_cast %scan3A_44 : i32 to index
      %swap3A_70 = arith.constant 80 : index
      %swap3A_71 = tpu.vector_load %arg5[%swap3A_69, %swap3A_70] {strides = array<i32>} : memref<128x128xf32, #tpu.memory_space<vmem>>, vector<1x16xf32>,
      %swap3A_72 = vector.shape_cast %swap3A_71 : vector<1x16xf32> to vector<16xf32>
      %swap3A_73 = vector.shape_cast %broadcast_in_dim3A_1 : vector<16xf32> to vector<1x16xf32>
      tpu.vector_store %arg5[%swap3A_69, %swap3A_70], %swap3A_73 {strides = array<i32>} : memref<128x128xf32, #tpu.memory_space<vmem>>, vector<1x16xf32>,
      %swap3A_74 = arith.index_cast %scan3A_44 : i32 to index
      %swap3A_75 = arith.constant 96 : index
      %swap3A_76 = tpu.vector_load %arg5[%swap3A_74, %swap3A_75] {strides = array<i32>} : memref<128x128xf32, #tpu.memory_space<vmem>>, vector<1x16xf32>,
      %swap3A_77 = vector.shape_cast %swap3A_76 : vector<1x16xf32> to vector<16xf32>
      %swap3A_78 = vector.shape_cast %broadcast_in_dim3A_1 : vector<16xf32> to vector<1x16xf32>
      tpu.vector_store %arg5[%swap3A_74, %swap3A_75], %swap3A_78 {strides = array<i32>} : memref<128x128xf32, #tpu.memory_space<vmem>>, vector<1x16xf32>,
      %swap3A_79 = arith.index_cast %scan3A_44 : i32 to index
      %swap3A_80 = arith.constant 112 : index
      %swap3A_81 = tpu.vector_load %arg5[%swap3A_79, %swap3A_80] {strides = array<i32>} : memref<128x128xf32, #tpu.memory_space<vmem>>, vector<1x16xf32>,
      %swap3A_82 = vector.shape_cast %swap3A_81 : vector<1x16xf32> to vector<16xf32>
      %swap3A_83 = vector.shape_cast %broadcast_in_dim3A_1 : vector<16xf32> to vector<1x16xf32>
      tpu.vector_store %arg5[%swap3A_79, %swap3A_80], %swap3A_83 {strides = array<i32>} : memref<128x128xf32, #tpu.memory_space<vmem>>, vector<1x16xf32>,
    }
    %scan3A_8 = arith.constant 128 : i32
    %mul3A_9 = arith.constant 640 : i32
    %mul3A_10 = arith.muli %arg1, %mul3A_9 : i32
    %add3A_11 = arith.constant 0 : i32
    %add3A_12 = arith.addi %mul3A_10, %add3A_11 : i32
    "tpu.region"() ({
      %run_scoped3A = tpu.sem_alloc : memref<!tpu.dma_semaphore, #tpu.memory_space<semaphore_mem>>
      %dma_start3A = arith.constant 0 : i32
      %dma_start3A_44 = tpu.memref_slice %arg6[%add3A_12, %dma_start3A] : memref<10240x128xf32, #tpu.memory_space<vmem_shared>> -> memref<128x128xf32, #tpu.memory_space<vmem_shared>>
      %dma_start3A_45 = arith.constant 0 : i32
      %dma_start3A_46 = tpu.memref_slice %arg6[%add3A_12, %dma_start3A_45] : memref<10240x128xf32, #tpu.memory_space<vmem_shared>> -> memref<128x128xf32, #tpu.memory_space<vmem_shared>>
      tpu.enqueue_dma source(%arg5 : memref<128x128xf32, #tpu.memory_space<vmem>>) target(%dma_start3A_46 : memref<128x128xf32, #tpu.memory_space<vmem_shared>>) target_semaphore(%run_scoped3A : memref<!tpu.dma_semaphore, #tpu.memory_space<semaphore_mem>>)
      %dma_wait3A = arith.constant 0 : i32
      %dma_wait3A_47 = tpu.memref_slice %arg6[%add3A_12, %dma_wait3A] : memref<10240x128xf32, #tpu.memory_space<vmem_shared>> -> memref<128x128xf32, #tpu.memory_space<vmem_shared>>
      %dma_wait3A_48 = arith.constant 0 : i32
      %dma_wait3A_49 = tpu.memref_slice %arg6[%add3A_12, %dma_wait3A_48] : memref<10240x128xf32, #tpu.memory_space<vmem_shared>> -> memref<128x128xf32, #tpu.memory_space<vmem_shared>>
      tpu.wait_dma2 semaphore(%run_scoped3A : memref<!tpu.dma_semaphore, #tpu.memory_space<semaphore_mem>>) src(%arg5 : memref<128x128xf32, #tpu.memory_space<vmem>>) dst(%dma_wait3A_49 : memref<128x128xf32, #tpu.memory_space<vmem_shared>>)
      tpu.yield
    }) : () -> ()
    %mul3A_13 = arith.constant 640 : i32
    %mul3A_14 = arith.muli %arg1, %mul3A_13 : i32
    %add3A_15 = arith.constant 128 : i32
    %add3A_16 = arith.addi %mul3A_14, %add3A_15 : i32
    "tpu.region"() ({
      %run_scoped3A = tpu.sem_alloc : memref<!tpu.dma_semaphore, #tpu.memory_space<semaphore_mem>>
      %dma_start3A = arith.constant 0 : i32
      %dma_start3A_44 = tpu.memref_slice %arg6[%add3A_16, %dma_start3A] : memref<10240x128xf32, #tpu.memory_space<vmem_shared>> -> memref<128x128xf32, #tpu.memory_space<vmem_shared>>
      %dma_start3A_45 = arith.constant 0 : i32
      %dma_start3A_46 = tpu.memref_slice %arg6[%add3A_16, %dma_start3A_45] : memref<10240x128xf32, #tpu.memory_space<vmem_shared>> -> memref<128x128xf32, #tpu.memory_space<vmem_shared>>
      tpu.enqueue_dma source(%arg5 : memref<128x128xf32, #tpu.memory_space<vmem>>) target(%dma_start3A_46 : memref<128x128xf32, #tpu.memory_space<vmem_shared>>) target_semaphore(%run_scoped3A : memref<!tpu.dma_semaphore, #tpu.memory_space<semaphore_mem>>)
      %dma_wait3A = arith.constant 0 : i32
      %dma_wait3A_47 = tpu.memref_slice %arg6[%add3A_16, %dma_wait3A] : memref<10240x128xf32, #tpu.memory_space<vmem_shared>> -> memref<128x128xf32, #tpu.memory_space<vmem_shared>>
      %dma_wait3A_48 = arith.constant 0 : i32
      %dma_wait3A_49 = tpu.memref_slice %arg6[%add3A_16, %dma_wait3A_48] : memref<10240x128xf32, #tpu.memory_space<vmem_shared>> -> memref<128x128xf32, #tpu.memory_space<vmem_shared>>
      tpu.wait_dma2 semaphore(%run_scoped3A : memref<!tpu.dma_semaphore, #tpu.memory_space<semaphore_mem>>) src(%arg5 : memref<128x128xf32, #tpu.memory_space<vmem>>) dst(%dma_wait3A_49 : memref<128x128xf32, #tpu.memory_space<vmem_shared>>)
      tpu.yield
    }) : () -> ()
    %mul3A_17 = arith.constant 640 : i32
    %mul3A_18 = arith.muli %arg1, %mul3A_17 : i32
    %add3A_19 = arith.constant 256 : i32
    %add3A_20 = arith.addi %mul3A_18, %add3A_19 : i32
    "tpu.region"() ({
      %run_scoped3A = tpu.sem_alloc : memref<!tpu.dma_semaphore, #tpu.memory_space<semaphore_mem>>
      %dma_start3A = arith.constant 0 : i32
      %dma_start3A_44 = tpu.memref_slice %arg6[%add3A_20, %dma_start3A] : memref<10240x128xf32, #tpu.memory_space<vmem_shared>> -> memref<128x128xf32, #tpu.memory_space<vmem_shared>>
      %dma_start3A_45 = arith.constant 0 : i32
      %dma_start3A_46 = tpu.memref_slice %arg6[%add3A_20, %dma_start3A_45] : memref<10240x128xf32, #tpu.memory_space<vmem_shared>> -> memref<128x128xf32, #tpu.memory_space<vmem_shared>>
      tpu.enqueue_dma source(%arg5 : memref<128x128xf32, #tpu.memory_space<vmem>>) target(%dma_start3A_46 : memref<128x128xf32, #tpu.memory_space<vmem_shared>>) target_semaphore(%run_scoped3A : memref<!tpu.dma_semaphore, #tpu.memory_space<semaphore_mem>>)
      %dma_wait3A = arith.constant 0 : i32
      %dma_wait3A_47 = tpu.memref_slice %arg6[%add3A_20, %dma_wait3A] : memref<10240x128xf32, #tpu.memory_space<vmem_shared>> -> memref<128x128xf32, #tpu.memory_space<vmem_shared>>
      %dma_wait3A_48 = arith.constant 0 : i32
      %dma_wait3A_49 = tpu.memref_slice %arg6[%add3A_20, %dma_wait3A_48] : memref<10240x128xf32, #tpu.memory_space<vmem_shared>> -> memref<128x128xf32, #tpu.memory_space<vmem_shared>>
      tpu.wait_dma2 semaphore(%run_scoped3A : memref<!tpu.dma_semaphore, #tpu.memory_space<semaphore_mem>>) src(%arg5 : memref<128x128xf32, #tpu.memory_space<vmem>>) dst(%dma_wait3A_49 : memref<128x128xf32, #tpu.memory_space<vmem_shared>>)
      tpu.yield
    }) : () -> ()
    %mul3A_21 = arith.constant 640 : i32
    %mul3A_22 = arith.muli %arg1, %mul3A_21 : i32
    %add3A_23 = arith.constant 384 : i32
    %add3A_24 = arith.addi %mul3A_22, %add3A_23 : i32
    "tpu.region"() ({
      %run_scoped3A = tpu.sem_alloc : memref<!tpu.dma_semaphore, #tpu.memory_space<semaphore_mem>>
      %dma_start3A = arith.constant 0 : i32
      %dma_start3A_44 = tpu.memref_slice %arg6[%add3A_24, %dma_start3A] : memref<10240x128xf32, #tpu.memory_space<vmem_shared>> -> memref<128x128xf32, #tpu.memory_space<vmem_shared>>
      %dma_start3A_45 = arith.constant 0 : i32
      %dma_start3A_46 = tpu.memref_slice %arg6[%add3A_24, %dma_start3A_45] : memref<10240x128xf32, #tpu.memory_space<vmem_shared>> -> memref<128x128xf32, #tpu.memory_space<vmem_shared>>
      tpu.enqueue_dma source(%arg5 : memref<128x128xf32, #tpu.memory_space<vmem>>) target(%dma_start3A_46 : memref<128x128xf32, #tpu.memory_space<vmem_shared>>) target_semaphore(%run_scoped3A : memref<!tpu.dma_semaphore, #tpu.memory_space<semaphore_mem>>)
      %dma_wait3A = arith.constant 0 : i32
      %dma_wait3A_47 = tpu.memref_slice %arg6[%add3A_24, %dma_wait3A] : memref<10240x128xf32, #tpu.memory_space<vmem_shared>> -> memref<128x128xf32, #tpu.memory_space<vmem_shared>>
      %dma_wait3A_48 = arith.constant 0 : i32
      %dma_wait3A_49 = tpu.memref_slice %arg6[%add3A_24, %dma_wait3A_48] : memref<10240x128xf32, #tpu.memory_space<vmem_shared>> -> memref<128x128xf32, #tpu.memory_space<vmem_shared>>
      tpu.wait_dma2 semaphore(%run_scoped3A : memref<!tpu.dma_semaphore, #tpu.memory_space<semaphore_mem>>) src(%arg5 : memref<128x128xf32, #tpu.memory_space<vmem>>) dst(%dma_wait3A_49 : memref<128x128xf32, #tpu.memory_space<vmem_shared>>)
      tpu.yield
    }) : () -> ()
    %mul3A_25 = arith.constant 640 : i32
    %mul3A_26 = arith.muli %arg1, %mul3A_25 : i32
    %add3A_27 = arith.constant 512 : i32
    %add3A_28 = arith.addi %mul3A_26, %add3A_27 : i32
    "tpu.region"() ({
      %run_scoped3A = tpu.sem_alloc : memref<!tpu.dma_semaphore, #tpu.memory_space<semaphore_mem>>
      %dma_start3A = arith.constant 0 : i32
      %dma_start3A_44 = tpu.memref_slice %arg6[%add3A_28, %dma_start3A] : memref<10240x128xf32, #tpu.memory_space<vmem_shared>> -> memref<128x128xf32, #tpu.memory_space<vmem_shared>>
      %dma_start3A_45 = arith.constant 0 : i32
      %dma_start3A_46 = tpu.memref_slice %arg6[%add3A_28, %dma_start3A_45] : memref<10240x128xf32, #tpu.memory_space<vmem_shared>> -> memref<128x128xf32, #tpu.memory_space<vmem_shared>>
      tpu.enqueue_dma source(%arg5 : memref<128x128xf32, #tpu.memory_space<vmem>>) target(%dma_start3A_46 : memref<128x128xf32, #tpu.memory_space<vmem_shared>>) target_semaphore(%run_scoped3A : memref<!tpu.dma_semaphore, #tpu.memory_space<semaphore_mem>>)
      %dma_wait3A = arith.constant 0 : i32
      %dma_wait3A_47 = tpu.memref_slice %arg6[%add3A_28, %dma_wait3A] : memref<10240x128xf32, #tpu.memory_space<vmem_shared>> -> memref<128x128xf32, #tpu.memory_space<vmem_shared>>
      %dma_wait3A_48 = arith.constant 0 : i32
      %dma_wait3A_49 = tpu.memref_slice %arg6[%add3A_28, %dma_wait3A_48] : memref<10240x128xf32, #tpu.memory_space<vmem_shared>> -> memref<128x128xf32, #tpu.memory_space<vmem_shared>>
      tpu.wait_dma2 semaphore(%run_scoped3A : memref<!tpu.dma_semaphore, #tpu.memory_space<semaphore_mem>>) src(%arg5 : memref<128x128xf32, #tpu.memory_space<vmem>>) dst(%dma_wait3A_49 : memref<128x128xf32, #tpu.memory_space<vmem_shared>>)
      tpu.yield
    }) : () -> ()
    %scan3A_29 = arith.constant 0 : i32
    %scan3A_30 = arith.constant 0 : i32
    %scan3A_31 = arith.constant 128 : i32
    %scan3A_32 = arith.addi %scan3A_30, %scan3A_31 : i32
    %scan3A_33 = arith.constant 1 : i32
    scf.for %scan3A_44 = %scan3A_30 to %scan3A_32 step %scan3A_33  : i32 {
      %swap3A = arith.index_cast %scan3A_44 : i32 to index
      %swap3A_45 = arith.constant 0 : index
      %swap3A_46 = tpu.vector_load %arg5[%swap3A, %swap3A_45] {strides = array<i32>} : memref<128x128xf32, #tpu.memory_space<vmem>>, vector<1x16xf32>,
      %swap3A_47 = vector.shape_cast %swap3A_46 : vector<1x16xf32> to vector<16xf32>
      %swap3A_48 = vector.shape_cast %broadcast_in_dim3A_3 : vector<16xf32> to vector<1x16xf32>
      tpu.vector_store %arg5[%swap3A, %swap3A_45], %swap3A_48 {strides = array<i32>} : memref<128x128xf32, #tpu.memory_space<vmem>>, vector<1x16xf32>,
      %swap3A_49 = arith.index_cast %scan3A_44 : i32 to index
      %swap3A_50 = arith.constant 16 : index
      %swap3A_51 = tpu.vector_load %arg5[%swap3A_49, %swap3A_50] {strides = array<i32>} : memref<128x128xf32, #tpu.memory_space<vmem>>, vector<1x16xf32>,
      %swap3A_52 = vector.shape_cast %swap3A_51 : vector<1x16xf32> to vector<16xf32>
      %swap3A_53 = vector.shape_cast %broadcast_in_dim3A_3 : vector<16xf32> to vector<1x16xf32>
      tpu.vector_store %arg5[%swap3A_49, %swap3A_50], %swap3A_53 {strides = array<i32>} : memref<128x128xf32, #tpu.memory_space<vmem>>, vector<1x16xf32>,
      %swap3A_54 = arith.index_cast %scan3A_44 : i32 to index
      %swap3A_55 = arith.constant 32 : index
      %swap3A_56 = tpu.vector_load %arg5[%swap3A_54, %swap3A_55] {strides = array<i32>} : memref<128x128xf32, #tpu.memory_space<vmem>>, vector<1x16xf32>,
      %swap3A_57 = vector.shape_cast %swap3A_56 : vector<1x16xf32> to vector<16xf32>
      %swap3A_58 = vector.shape_cast %broadcast_in_dim3A_3 : vector<16xf32> to vector<1x16xf32>
      tpu.vector_store %arg5[%swap3A_54, %swap3A_55], %swap3A_58 {strides = array<i32>} : memref<128x128xf32, #tpu.memory_space<vmem>>, vector<1x16xf32>,
      %swap3A_59 = arith.index_cast %scan3A_44 : i32 to index
      %swap3A_60 = arith.constant 48 : index
      %swap3A_61 = tpu.vector_load %arg5[%swap3A_59, %swap3A_60] {strides = array<i32>} : memref<128x128xf32, #tpu.memory_space<vmem>>, vector<1x16xf32>,
      %swap3A_62 = vector.shape_cast %swap3A_61 : vector<1x16xf32> to vector<16xf32>
      %swap3A_63 = vector.shape_cast %broadcast_in_dim3A_3 : vector<16xf32> to vector<1x16xf32>
      tpu.vector_store %arg5[%swap3A_59, %swap3A_60], %swap3A_63 {strides = array<i32>} : memref<128x128xf32, #tpu.memory_space<vmem>>, vector<1x16xf32>,
      %swap3A_64 = arith.index_cast %scan3A_44 : i32 to index
      %swap3A_65 = arith.constant 64 : index
      %swap3A_66 = tpu.vector_load %arg5[%swap3A_64, %swap3A_65] {strides = array<i32>} : memref<128x128xf32, #tpu.memory_space<vmem>>, vector<1x16xf32>,
      %swap3A_67 = vector.shape_cast %swap3A_66 : vector<1x16xf32> to vector<16xf32>
      %swap3A_68 = vector.shape_cast %broadcast_in_dim3A_3 : vector<16xf32> to vector<1x16xf32>
      tpu.vector_store %arg5[%swap3A_64, %swap3A_65], %swap3A_68 {strides = array<i32>} : memref<128x128xf32, #tpu.memory_space<vmem>>, vector<1x16xf32>,
      %swap3A_69 = arith.index_cast %scan3A_44 : i32 to index
      %swap3A_70 = arith.constant 80 : index
      %swap3A_71 = tpu.vector_load %arg5[%swap3A_69, %swap3A_70] {strides = array<i32>} : memref<128x128xf32, #tpu.memory_space<vmem>>, vector<1x16xf32>,
      %swap3A_72 = vector.shape_cast %swap3A_71 : vector<1x16xf32> to vector<16xf32>
      %swap3A_73 = vector.shape_cast %broadcast_in_dim3A_3 : vector<16xf32> to vector<1x16xf32>
      tpu.vector_store %arg5[%swap3A_69, %swap3A_70], %swap3A_73 {strides = array<i32>} : memref<128x128xf32, #tpu.memory_space<vmem>>, vector<1x16xf32>,
      %swap3A_74 = arith.index_cast %scan3A_44 : i32 to index
      %swap3A_75 = arith.constant 96 : index
      %swap3A_76 = tpu.vector_load %arg5[%swap3A_74, %swap3A_75] {strides = array<i32>} : memref<128x128xf32, #tpu.memory_space<vmem>>, vector<1x16xf32>,
      %swap3A_77 = vector.shape_cast %swap3A_76 : vector<1x16xf32> to vector<16xf32>
      %swap3A_78 = vector.shape_cast %broadcast_in_dim3A_3 : vector<16xf32> to vector<1x16xf32>
      tpu.vector_store %arg5[%swap3A_74, %swap3A_75], %swap3A_78 {strides = array<i32>} : memref<128x128xf32, #tpu.memory_space<vmem>>, vector<1x16xf32>,
      %swap3A_79 = arith.index_cast %scan3A_44 : i32 to index
      %swap3A_80 = arith.constant 112 : index
      %swap3A_81 = tpu.vector_load %arg5[%swap3A_79, %swap3A_80] {strides = array<i32>} : memref<128x128xf32, #tpu.memory_space<vmem>>, vector<1x16xf32>,
      %swap3A_82 = vector.shape_cast %swap3A_81 : vector<1x16xf32> to vector<16xf32>
      %swap3A_83 = vector.shape_cast %broadcast_in_dim3A_3 : vector<16xf32> to vector<1x16xf32>
      tpu.vector_store %arg5[%swap3A_79, %swap3A_80], %swap3A_83 {strides = array<i32>} : memref<128x128xf32, #tpu.memory_space<vmem>>, vector<1x16xf32>,
    }
    %scan3A_34 = arith.constant 128 : i32
    "tpu.region"() ({
      %run_scoped3A = tpu.sem_alloc : memref<!tpu.dma_semaphore, #tpu.memory_space<semaphore_mem>>
      %dma_start3A = arith.constant 0 : i32
      %dma_start3A_44 = arith.constant 0 : i32
      %dma_start3A_45 = tpu.memref_slice %arg2[%add3A, %dma_start3A, %dma_start3A_44] : memref<32x80x128xi32, #tpu.memory_space<hbm>> -> memref<1x80x128xi32, #tpu.memory_space<hbm>>
      %dma_start3A_46 = tpu.memref_squeeze %dma_start3A_45 : memref<1x80x128xi32, #tpu.memory_space<hbm>> -> memref<80x128xi32, #tpu.memory_space<hbm>>
      %dma_start3A_47 = arith.constant 0 : i32
      %dma_start3A_48 = arith.constant 0 : i32
      %dma_start3A_49 = tpu.memref_slice %arg2[%add3A, %dma_start3A_47, %dma_start3A_48] : memref<32x80x128xi32, #tpu.memory_space<hbm>> -> memref<1x80x128xi32, #tpu.memory_space<hbm>>
      %dma_start3A_50 = tpu.memref_squeeze %dma_start3A_49 : memref<1x80x128xi32, #tpu.memory_space<hbm>> -> memref<80x128xi32, #tpu.memory_space<hbm>>
      tpu.enqueue_dma source(%dma_start3A_50 : memref<80x128xi32, #tpu.memory_space<hbm>>) target(%arg4 : memref<80x128xi32, #tpu.memory_space<vmem>>) target_semaphore(%run_scoped3A : memref<!tpu.dma_semaphore, #tpu.memory_space<semaphore_mem>>)
      %dma_wait3A = arith.constant 0 : i32
      %dma_wait3A_51 = arith.constant 0 : i32
      %dma_wait3A_52 = tpu.memref_slice %arg2[%add3A, %dma_wait3A, %dma_wait3A_51] : memref<32x80x128xi32, #tpu.memory_space<hbm>> -> memref<1x80x128xi32, #tpu.memory_space<hbm>>
      %dma_wait3A_53 = tpu.memref_squeeze %dma_wait3A_52 : memref<1x80x128xi32, #tpu.memory_space<hbm>> -> memref<80x128xi32, #tpu.memory_space<hbm>>
      %dma_wait3A_54 = arith.constant 0 : i32
      %dma_wait3A_55 = arith.constant 0 : i32
      %dma_wait3A_56 = tpu.memref_slice %arg2[%add3A, %dma_wait3A_54, %dma_wait3A_55] : memref<32x80x128xi32, #tpu.memory_space<hbm>> -> memref<1x80x128xi32, #tpu.memory_space<hbm>>
      %dma_wait3A_57 = tpu.memref_squeeze %dma_wait3A_56 : memref<1x80x128xi32, #tpu.memory_space<hbm>> -> memref<80x128xi32, #tpu.memory_space<hbm>>
      tpu.wait_dma2 semaphore(%run_scoped3A : memref<!tpu.dma_semaphore, #tpu.memory_space<semaphore_mem>>) src(%dma_wait3A_57 : memref<80x128xi32, #tpu.memory_space<hbm>>) dst(%arg4 : memref<80x128xi32, #tpu.memory_space<vmem>>)
      tpu.yield
    }) : () -> ()
    %barrier3A = arith.constant 0 : index
    tpu.barrier barrier_id(%barrier3A)
    %scan3A_35 = arith.constant 0 : i32
    %scan3A_36 = arith.constant 0 : i32
    %scan3A_37 = arith.constant 40 : i32
    %scan3A_38 = arith.addi %scan3A_36, %scan3A_37 : i32
    %scan3A_39 = arith.constant 1 : i32
    scf.for %scan3A_44 = %scan3A_36 to %scan3A_38 step %scan3A_39  : i32 {
      %mul3A_45 = arith.constant 2 : i32
      %mul3A_46 = arith.muli %mul3A_45, %scan3A_44 : i32
      %dma_start3A = arith.constant 0 : i32
      %dma_start3A_47 = tpu.memref_slice %arg4[%mul3A_46, %dma_start3A] : memref<80x128xi32, #tpu.memory_space<vmem>> -> memref<1x128xi32, #tpu.memory_space<vmem>>
      %dma_start3A_48 = tpu.memref_squeeze %dma_start3A_47 : memref<1x128xi32, #tpu.memory_space<vmem>> -> memref<128xi32, #tpu.memory_space<vmem>>
      %dma_start3A_49 = arith.constant 0 : i32
      %dma_start3A_50 = arith.constant 0 : i32
      %dma_start3A_51 = tpu.memref_slice %arg6[%dma_start3A_49, %dma_start3A_50] : memref<10240x128xf32, #tpu.memory_space<vmem_shared>> -> memref<10240x128xf32, #tpu.memory_space<vmem_shared>>
      tpu.enqueue_indirect_dma source(%arg5 : memref<128x128xf32, #tpu.memory_space<vmem>>) target(%dma_start3A_51 : memref<10240x128xf32, #tpu.memory_space<vmem_shared>>) offsets(%dma_start3A_48 : memref<128xi32, #tpu.memory_space<vmem>>) semaphore(%arg7 : memref<!tpu.dma_semaphore, #tpu.memory_space<semaphore_mem>>) {add = true}
      %add3A_52 = arith.constant 1 : i32
      %add3A_53 = arith.addi %mul3A_46, %add3A_52 : i32
      %dma_start3A_54 = arith.constant 0 : i32
      %dma_start3A_55 = tpu.memref_slice %arg4[%add3A_53, %dma_start3A_54] : memref<80x128xi32, #tpu.memory_space<vmem>> -> memref<1x128xi32, #tpu.memory_space<vmem>>
      %dma_start3A_56 = tpu.memref_squeeze %dma_start3A_55 : memref<1x128xi32, #tpu.memory_space<vmem>> -> memref<128xi32, #tpu.memory_space<vmem>>
      %dma_start3A_57 = arith.constant 0 : i32
      %dma_start3A_58 = arith.constant 0 : i32
      %dma_start3A_59 = tpu.memref_slice %arg6[%dma_start3A_57, %dma_start3A_58] : memref<10240x128xf32, #tpu.memory_space<vmem_shared>> -> memref<10240x128xf32, #tpu.memory_space<vmem_shared>>
      tpu.enqueue_indirect_dma source(%arg5 : memref<128x128xf32, #tpu.memory_space<vmem>>) target(%dma_start3A_59 : memref<10240x128xf32, #tpu.memory_space<vmem_shared>>) offsets(%dma_start3A_56 : memref<128xi32, #tpu.memory_space<vmem>>) semaphore(%arg8 : memref<!tpu.dma_semaphore, #tpu.memory_space<semaphore_mem>>) {add = true}
      %dma_wait3A = arith.constant 0 : i32
      %dma_wait3A_60 = tpu.memref_slice %arg4[%mul3A_46, %dma_wait3A] : memref<80x128xi32, #tpu.memory_space<vmem>> -> memref<1x128xi32, #tpu.memory_space<vmem>>
      %dma_wait3A_61 = tpu.memref_squeeze %dma_wait3A_60 : memref<1x128xi32, #tpu.memory_space<vmem>> -> memref<128xi32, #tpu.memory_space<vmem>>
      %dma_wait3A_62 = arith.constant 0 : i32
      %dma_wait3A_63 = arith.constant 0 : i32
      %dma_wait3A_64 = tpu.memref_slice %arg6[%dma_wait3A_62, %dma_wait3A_63] : memref<10240x128xf32, #tpu.memory_space<vmem_shared>> -> memref<10240x128xf32, #tpu.memory_space<vmem_shared>>
      tpu.wait_indirect_dma semaphore(%arg7 : memref<!tpu.dma_semaphore, #tpu.memory_space<semaphore_mem>>) src(%arg5 : memref<128x128xf32, #tpu.memory_space<vmem>>) dst(%dma_wait3A_64 : memref<10240x128xf32, #tpu.memory_space<vmem_shared>>)
      %dma_wait3A_65 = arith.constant 0 : i32
      %dma_wait3A_66 = tpu.memref_slice %arg4[%add3A_53, %dma_wait3A_65] : memref<80x128xi32, #tpu.memory_space<vmem>> -> memref<1x128xi32, #tpu.memory_space<vmem>>
      %dma_wait3A_67 = tpu.memref_squeeze %dma_wait3A_66 : memref<1x128xi32, #tpu.memory_space<vmem>> -> memref<128xi32, #tpu.memory_space<vmem>>
      %dma_wait3A_68 = arith.constant 0 : i32
      %dma_wait3A_69 = arith.constant 0 : i32
      %dma_wait3A_70 = tpu.memref_slice %arg6[%dma_wait3A_68, %dma_wait3A_69] : memref<10240x128xf32, #tpu.memory_space<vmem_shared>> -> memref<10240x128xf32, #tpu.memory_space<vmem_shared>>
      tpu.wait_indirect_dma semaphore(%arg8 : memref<!tpu.dma_semaphore, #tpu.memory_space<semaphore_mem>>) src(%arg5 : memref<128x128xf32, #tpu.memory_space<vmem>>) dst(%dma_wait3A_70 : memref<10240x128xf32, #tpu.memory_space<vmem_shared>>)
    }
    %scan3A_40 = arith.constant 40 : i32
    %barrier3A_41 = arith.constant 0 : index
    tpu.barrier barrier_id(%barrier3A_41)
    %mul3A_42 = arith.constant 640 : i32
    %mul3A_43 = arith.muli %arg1, %mul3A_42 : i32
    "tpu.region"() ({
      %run_scoped3A = tpu.sem_alloc : memref<!tpu.dma_semaphore, #tpu.memory_space<semaphore_mem>>
      %dma_start3A = arith.constant 0 : i32
      %dma_start3A_44 = tpu.memref_slice %arg3[%arg0, %mul3A_43, %dma_start3A] : memref<2x10240x128xf32, #tpu.memory_space<hbm>> -> memref<1x640x128xf32, #tpu.memory_space<hbm>>
      %dma_start3A_45 = tpu.memref_squeeze %dma_start3A_44 : memref<1x640x128xf32, #tpu.memory_space<hbm>> -> memref<640x128xf32, #tpu.memory_space<hbm>>
      %dma_start3A_46 = arith.constant 0 : i32
      %dma_start3A_47 = tpu.memref_slice %arg6[%mul3A_43, %dma_start3A_46] : memref<10240x128xf32, #tpu.memory_space<vmem_shared>> -> memref<640x128xf32, #tpu.memory_space<vmem_shared>>
      tpu.enqueue_dma source(%dma_start3A_47 : memref<640x128xf32, #tpu.memory_space<vmem_shared>>) target(%dma_start3A_45 : memref<640x128xf32, #tpu.memory_space<hbm>>) target_semaphore(%run_scoped3A : memref<!tpu.dma_semaphore, #tpu.memory_space<semaphore_mem>>)
      %dma_wait3A = arith.constant 0 : i32
      %dma_wait3A_48 = tpu.memref_slice %arg3[%arg0, %mul3A_43, %dma_wait3A] : memref<2x10240x128xf32, #tpu.memory_space<hbm>> -> memref<1x640x128xf32, #tpu.memory_space<hbm>>
      %dma_wait3A_49 = tpu.memref_squeeze %dma_wait3A_48 : memref<1x640x128xf32, #tpu.memory_space<hbm>> -> memref<640x128xf32, #tpu.memory_space<hbm>>
      %dma_wait3A_50 = arith.constant 0 : i32
      %dma_wait3A_51 = tpu.memref_slice %arg6[%mul3A_43, %dma_wait3A_50] : memref<10240x128xf32, #tpu.memory_space<vmem_shared>> -> memref<640x128xf32, #tpu.memory_space<vmem_shared>>
      tpu.wait_dma2 semaphore(%run_scoped3A : memref<!tpu.dma_semaphore, #tpu.memory_space<semaphore_mem>>) src(%dma_wait3A_51 : memref<640x128xf32, #tpu.memory_space<vmem_shared>>) dst(%dma_wait3A_49 : memref<640x128xf32, #tpu.memory_space<hbm>>)
      tpu.yield
    }) : () -> ()
    return
  }
}

#map = affine_map<(d0, d1) -> (0, 0)>
#map1 = affine_map<(d0, d1) -> (0)>
#map2 = affine_map<(d0, d1) -> (0, 0, 0)>
module attributes {stable_mosaic.version = 14 : i64} {
  func.func @_prop_body(%arg0: i32, %arg1: i32, %arg2: memref<10000x128xf32, #tpu.memory_space<hbm>>, %arg3: memref<327680xi32, #tpu.memory_space<hbm>>, %arg4: memref<327680xi32, #tpu.memory_space<hbm>>, %arg5: memref<2x10240x128xf32, #tpu.memory_space<hbm>>, %arg6: memref<10240xi32, #tpu.memory_space<vmem>>, %arg7: memref<1x128xi32, #tpu.memory_space<vmem>>, %arg8: memref<1x128xi32, #tpu.memory_space<vmem>>, %arg9: memref<128x128xf32, #tpu.memory_space<vmem>>, %arg10: memref<128x128xf32, #tpu.memory_space<vmem>>, %arg11: memref<10240x128xf32, #tpu.memory_space<vmem_shared>>, %arg12: memref<!tpu.dma_semaphore, #tpu.memory_space<semaphore_mem>>, %arg13: memref<!tpu.dma_semaphore, #tpu.memory_space<semaphore_mem>>) attributes {dimension_semantics = [#tpu.dimension_semantics<core_parallel>, #tpu.dimension_semantics<subcore_parallel>], iteration_bounds = array<i64: 2, 16>, scalar_prefetch = 0 : i64, scratch_operands = 8 : i64, tpu.core_type = #tpu.core_type<sc_vector_subcore>, window_params = [{transform_indices = #map}, {transform_indices = #map1}, {transform_indices = #map1}, {transform_indices = #map2}]} {
    %mul3A = arith.constant 16 : i32
    %mul3A_0 = arith.muli %arg0, %mul3A : i32
    %add3A = arith.addi %mul3A_0, %arg1 : i32
    %broadcast_in_dim3A = arith.constant 0.000000e+00 : f32
    %broadcast_in_dim3A_1 = vector.broadcast %broadcast_in_dim3A : f32 to vector<16xf32>
    %scan3A = arith.constant 0 : i32
    %scan3A_2 = arith.constant 0 : i32
    %scan3A_3 = arith.constant 128 : i32
    %scan3A_4 = arith.addi %scan3A_2, %scan3A_3 : i32
    %scan3A_5 = arith.constant 1 : i32
    scf.for %scan3A_44 = %scan3A_2 to %scan3A_4 step %scan3A_5  : i32 {
      %swap3A = arith.index_cast %scan3A_44 : i32 to index
      %swap3A_45 = arith.constant 0 : index
      %swap3A_46 = tpu.vector_load %arg9[%swap3A, %swap3A_45] {strides = array<i32>} : memref<128x128xf32, #tpu.memory_space<vmem>>, vector<1x16xf32>,
      %swap3A_47 = vector.shape_cast %swap3A_46 : vector<1x16xf32> to vector<16xf32>
      %swap3A_48 = vector.shape_cast %broadcast_in_dim3A_1 : vector<16xf32> to vector<1x16xf32>
      tpu.vector_store %arg9[%swap3A, %swap3A_45], %swap3A_48 {strides = array<i32>} : memref<128x128xf32, #tpu.memory_space<vmem>>, vector<1x16xf32>,
      %swap3A_49 = arith.index_cast %scan3A_44 : i32 to index
      %swap3A_50 = arith.constant 16 : index
      %swap3A_51 = tpu.vector_load %arg9[%swap3A_49, %swap3A_50] {strides = array<i32>} : memref<128x128xf32, #tpu.memory_space<vmem>>, vector<1x16xf32>,
      %swap3A_52 = vector.shape_cast %swap3A_51 : vector<1x16xf32> to vector<16xf32>
      %swap3A_53 = vector.shape_cast %broadcast_in_dim3A_1 : vector<16xf32> to vector<1x16xf32>
      tpu.vector_store %arg9[%swap3A_49, %swap3A_50], %swap3A_53 {strides = array<i32>} : memref<128x128xf32, #tpu.memory_space<vmem>>, vector<1x16xf32>,
      %swap3A_54 = arith.index_cast %scan3A_44 : i32 to index
      %swap3A_55 = arith.constant 32 : index
      %swap3A_56 = tpu.vector_load %arg9[%swap3A_54, %swap3A_55] {strides = array<i32>} : memref<128x128xf32, #tpu.memory_space<vmem>>, vector<1x16xf32>,
      %swap3A_57 = vector.shape_cast %swap3A_56 : vector<1x16xf32> to vector<16xf32>
      %swap3A_58 = vector.shape_cast %broadcast_in_dim3A_1 : vector<16xf32> to vector<1x16xf32>
      tpu.vector_store %arg9[%swap3A_54, %swap3A_55], %swap3A_58 {strides = array<i32>} : memref<128x128xf32, #tpu.memory_space<vmem>>, vector<1x16xf32>,
      %swap3A_59 = arith.index_cast %scan3A_44 : i32 to index
      %swap3A_60 = arith.constant 48 : index
      %swap3A_61 = tpu.vector_load %arg9[%swap3A_59, %swap3A_60] {strides = array<i32>} : memref<128x128xf32, #tpu.memory_space<vmem>>, vector<1x16xf32>,
      %swap3A_62 = vector.shape_cast %swap3A_61 : vector<1x16xf32> to vector<16xf32>
      %swap3A_63 = vector.shape_cast %broadcast_in_dim3A_1 : vector<16xf32> to vector<1x16xf32>
      tpu.vector_store %arg9[%swap3A_59, %swap3A_60], %swap3A_63 {strides = array<i32>} : memref<128x128xf32, #tpu.memory_space<vmem>>, vector<1x16xf32>,
      %swap3A_64 = arith.index_cast %scan3A_44 : i32 to index
      %swap3A_65 = arith.constant 64 : index
      %swap3A_66 = tpu.vector_load %arg9[%swap3A_64, %swap3A_65] {strides = array<i32>} : memref<128x128xf32, #tpu.memory_space<vmem>>, vector<1x16xf32>,
      %swap3A_67 = vector.shape_cast %swap3A_66 : vector<1x16xf32> to vector<16xf32>
      %swap3A_68 = vector.shape_cast %broadcast_in_dim3A_1 : vector<16xf32> to vector<1x16xf32>
      tpu.vector_store %arg9[%swap3A_64, %swap3A_65], %swap3A_68 {strides = array<i32>} : memref<128x128xf32, #tpu.memory_space<vmem>>, vector<1x16xf32>,
      %swap3A_69 = arith.index_cast %scan3A_44 : i32 to index
      %swap3A_70 = arith.constant 80 : index
      %swap3A_71 = tpu.vector_load %arg9[%swap3A_69, %swap3A_70] {strides = array<i32>} : memref<128x128xf32, #tpu.memory_space<vmem>>, vector<1x16xf32>,
      %swap3A_72 = vector.shape_cast %swap3A_71 : vector<1x16xf32> to vector<16xf32>
      %swap3A_73 = vector.shape_cast %broadcast_in_dim3A_1 : vector<16xf32> to vector<1x16xf32>
      tpu.vector_store %arg9[%swap3A_69, %swap3A_70], %swap3A_73 {strides = array<i32>} : memref<128x128xf32, #tpu.memory_space<vmem>>, vector<1x16xf32>,
      %swap3A_74 = arith.index_cast %scan3A_44 : i32 to index
      %swap3A_75 = arith.constant 96 : index
      %swap3A_76 = tpu.vector_load %arg9[%swap3A_74, %swap3A_75] {strides = array<i32>} : memref<128x128xf32, #tpu.memory_space<vmem>>, vector<1x16xf32>,
      %swap3A_77 = vector.shape_cast %swap3A_76 : vector<1x16xf32> to vector<16xf32>
      %swap3A_78 = vector.shape_cast %broadcast_in_dim3A_1 : vector<16xf32> to vector<1x16xf32>
      tpu.vector_store %arg9[%swap3A_74, %swap3A_75], %swap3A_78 {strides = array<i32>} : memref<128x128xf32, #tpu.memory_space<vmem>>, vector<1x16xf32>,
      %swap3A_79 = arith.index_cast %scan3A_44 : i32 to index
      %swap3A_80 = arith.constant 112 : index
      %swap3A_81 = tpu.vector_load %arg9[%swap3A_79, %swap3A_80] {strides = array<i32>} : memref<128x128xf32, #tpu.memory_space<vmem>>, vector<1x16xf32>,
      %swap3A_82 = vector.shape_cast %swap3A_81 : vector<1x16xf32> to vector<16xf32>
      %swap3A_83 = vector.shape_cast %broadcast_in_dim3A_1 : vector<16xf32> to vector<1x16xf32>
      tpu.vector_store %arg9[%swap3A_79, %swap3A_80], %swap3A_83 {strides = array<i32>} : memref<128x128xf32, #tpu.memory_space<vmem>>, vector<1x16xf32>,
    }
    %scan3A_6 = arith.constant 128 : i32
    %mul3A_7 = arith.constant 640 : i32
    %mul3A_8 = arith.muli %arg1, %mul3A_7 : i32
    %add3A_9 = arith.constant 0 : i32
    %add3A_10 = arith.addi %mul3A_8, %add3A_9 : i32
    "tpu.region"() ({
      %run_scoped3A_44 = tpu.sem_alloc : memref<!tpu.dma_semaphore, #tpu.memory_space<semaphore_mem>>
      %dma_start3A_45 = arith.constant 0 : i32
      %dma_start3A_46 = tpu.memref_slice %arg11[%add3A_10, %dma_start3A_45] : memref<10240x128xf32, #tpu.memory_space<vmem_shared>> -> memref<128x128xf32, #tpu.memory_space<vmem_shared>>
      %dma_start3A_47 = arith.constant 0 : i32
      %dma_start3A_48 = tpu.memref_slice %arg11[%add3A_10, %dma_start3A_47] : memref<10240x128xf32, #tpu.memory_space<vmem_shared>> -> memref<128x128xf32, #tpu.memory_space<vmem_shared>>
      tpu.enqueue_dma source(%arg9 : memref<128x128xf32, #tpu.memory_space<vmem>>) target(%dma_start3A_48 : memref<128x128xf32, #tpu.memory_space<vmem_shared>>) target_semaphore(%run_scoped3A_44 : memref<!tpu.dma_semaphore, #tpu.memory_space<semaphore_mem>>)
      %dma_wait3A = arith.constant 0 : i32
      %dma_wait3A_49 = tpu.memref_slice %arg11[%add3A_10, %dma_wait3A] : memref<10240x128xf32, #tpu.memory_space<vmem_shared>> -> memref<128x128xf32, #tpu.memory_space<vmem_shared>>
      %dma_wait3A_50 = arith.constant 0 : i32
      %dma_wait3A_51 = tpu.memref_slice %arg11[%add3A_10, %dma_wait3A_50] : memref<10240x128xf32, #tpu.memory_space<vmem_shared>> -> memref<128x128xf32, #tpu.memory_space<vmem_shared>>
      tpu.wait_dma2 semaphore(%run_scoped3A_44 : memref<!tpu.dma_semaphore, #tpu.memory_space<semaphore_mem>>) src(%arg9 : memref<128x128xf32, #tpu.memory_space<vmem>>) dst(%dma_wait3A_51 : memref<128x128xf32, #tpu.memory_space<vmem_shared>>)
      tpu.yield
    }) : () -> ()
    %mul3A_11 = arith.constant 640 : i32
    %mul3A_12 = arith.muli %arg1, %mul3A_11 : i32
    %add3A_13 = arith.constant 128 : i32
    %add3A_14 = arith.addi %mul3A_12, %add3A_13 : i32
    "tpu.region"() ({
      %run_scoped3A_44 = tpu.sem_alloc : memref<!tpu.dma_semaphore, #tpu.memory_space<semaphore_mem>>
      %dma_start3A_45 = arith.constant 0 : i32
      %dma_start3A_46 = tpu.memref_slice %arg11[%add3A_14, %dma_start3A_45] : memref<10240x128xf32, #tpu.memory_space<vmem_shared>> -> memref<128x128xf32, #tpu.memory_space<vmem_shared>>
      %dma_start3A_47 = arith.constant 0 : i32
      %dma_start3A_48 = tpu.memref_slice %arg11[%add3A_14, %dma_start3A_47] : memref<10240x128xf32, #tpu.memory_space<vmem_shared>> -> memref<128x128xf32, #tpu.memory_space<vmem_shared>>
      tpu.enqueue_dma source(%arg9 : memref<128x128xf32, #tpu.memory_space<vmem>>) target(%dma_start3A_48 : memref<128x128xf32, #tpu.memory_space<vmem_shared>>) target_semaphore(%run_scoped3A_44 : memref<!tpu.dma_semaphore, #tpu.memory_space<semaphore_mem>>)
      %dma_wait3A = arith.constant 0 : i32
      %dma_wait3A_49 = tpu.memref_slice %arg11[%add3A_14, %dma_wait3A] : memref<10240x128xf32, #tpu.memory_space<vmem_shared>> -> memref<128x128xf32, #tpu.memory_space<vmem_shared>>
      %dma_wait3A_50 = arith.constant 0 : i32
      %dma_wait3A_51 = tpu.memref_slice %arg11[%add3A_14, %dma_wait3A_50] : memref<10240x128xf32, #tpu.memory_space<vmem_shared>> -> memref<128x128xf32, #tpu.memory_space<vmem_shared>>
      tpu.wait_dma2 semaphore(%run_scoped3A_44 : memref<!tpu.dma_semaphore, #tpu.memory_space<semaphore_mem>>) src(%arg9 : memref<128x128xf32, #tpu.memory_space<vmem>>) dst(%dma_wait3A_51 : memref<128x128xf32, #tpu.memory_space<vmem_shared>>)
      tpu.yield
    }) : () -> ()
    %mul3A_15 = arith.constant 640 : i32
    %mul3A_16 = arith.muli %arg1, %mul3A_15 : i32
    %add3A_17 = arith.constant 256 : i32
    %add3A_18 = arith.addi %mul3A_16, %add3A_17 : i32
    "tpu.region"() ({
      %run_scoped3A_44 = tpu.sem_alloc : memref<!tpu.dma_semaphore, #tpu.memory_space<semaphore_mem>>
      %dma_start3A_45 = arith.constant 0 : i32
      %dma_start3A_46 = tpu.memref_slice %arg11[%add3A_18, %dma_start3A_45] : memref<10240x128xf32, #tpu.memory_space<vmem_shared>> -> memref<128x128xf32, #tpu.memory_space<vmem_shared>>
      %dma_start3A_47 = arith.constant 0 : i32
      %dma_start3A_48 = tpu.memref_slice %arg11[%add3A_18, %dma_start3A_47] : memref<10240x128xf32, #tpu.memory_space<vmem_shared>> -> memref<128x128xf32, #tpu.memory_space<vmem_shared>>
      tpu.enqueue_dma source(%arg9 : memref<128x128xf32, #tpu.memory_space<vmem>>) target(%dma_start3A_48 : memref<128x128xf32, #tpu.memory_space<vmem_shared>>) target_semaphore(%run_scoped3A_44 : memref<!tpu.dma_semaphore, #tpu.memory_space<semaphore_mem>>)
      %dma_wait3A = arith.constant 0 : i32
      %dma_wait3A_49 = tpu.memref_slice %arg11[%add3A_18, %dma_wait3A] : memref<10240x128xf32, #tpu.memory_space<vmem_shared>> -> memref<128x128xf32, #tpu.memory_space<vmem_shared>>
      %dma_wait3A_50 = arith.constant 0 : i32
      %dma_wait3A_51 = tpu.memref_slice %arg11[%add3A_18, %dma_wait3A_50] : memref<10240x128xf32, #tpu.memory_space<vmem_shared>> -> memref<128x128xf32, #tpu.memory_space<vmem_shared>>
      tpu.wait_dma2 semaphore(%run_scoped3A_44 : memref<!tpu.dma_semaphore, #tpu.memory_space<semaphore_mem>>) src(%arg9 : memref<128x128xf32, #tpu.memory_space<vmem>>) dst(%dma_wait3A_51 : memref<128x128xf32, #tpu.memory_space<vmem_shared>>)
      tpu.yield
    }) : () -> ()
    %mul3A_19 = arith.constant 640 : i32
    %mul3A_20 = arith.muli %arg1, %mul3A_19 : i32
    %add3A_21 = arith.constant 384 : i32
    %add3A_22 = arith.addi %mul3A_20, %add3A_21 : i32
    "tpu.region"() ({
      %run_scoped3A_44 = tpu.sem_alloc : memref<!tpu.dma_semaphore, #tpu.memory_space<semaphore_mem>>
      %dma_start3A_45 = arith.constant 0 : i32
      %dma_start3A_46 = tpu.memref_slice %arg11[%add3A_22, %dma_start3A_45] : memref<10240x128xf32, #tpu.memory_space<vmem_shared>> -> memref<128x128xf32, #tpu.memory_space<vmem_shared>>
      %dma_start3A_47 = arith.constant 0 : i32
      %dma_start3A_48 = tpu.memref_slice %arg11[%add3A_22, %dma_start3A_47] : memref<10240x128xf32, #tpu.memory_space<vmem_shared>> -> memref<128x128xf32, #tpu.memory_space<vmem_shared>>
      tpu.enqueue_dma source(%arg9 : memref<128x128xf32, #tpu.memory_space<vmem>>) target(%dma_start3A_48 : memref<128x128xf32, #tpu.memory_space<vmem_shared>>) target_semaphore(%run_scoped3A_44 : memref<!tpu.dma_semaphore, #tpu.memory_space<semaphore_mem>>)
      %dma_wait3A = arith.constant 0 : i32
      %dma_wait3A_49 = tpu.memref_slice %arg11[%add3A_22, %dma_wait3A] : memref<10240x128xf32, #tpu.memory_space<vmem_shared>> -> memref<128x128xf32, #tpu.memory_space<vmem_shared>>
      %dma_wait3A_50 = arith.constant 0 : i32
      %dma_wait3A_51 = tpu.memref_slice %arg11[%add3A_22, %dma_wait3A_50] : memref<10240x128xf32, #tpu.memory_space<vmem_shared>> -> memref<128x128xf32, #tpu.memory_space<vmem_shared>>
      tpu.wait_dma2 semaphore(%run_scoped3A_44 : memref<!tpu.dma_semaphore, #tpu.memory_space<semaphore_mem>>) src(%arg9 : memref<128x128xf32, #tpu.memory_space<vmem>>) dst(%dma_wait3A_51 : memref<128x128xf32, #tpu.memory_space<vmem_shared>>)
      tpu.yield
    }) : () -> ()
    %mul3A_23 = arith.constant 640 : i32
    %mul3A_24 = arith.muli %arg1, %mul3A_23 : i32
    %add3A_25 = arith.constant 512 : i32
    %add3A_26 = arith.addi %mul3A_24, %add3A_25 : i32
    "tpu.region"() ({
      %run_scoped3A_44 = tpu.sem_alloc : memref<!tpu.dma_semaphore, #tpu.memory_space<semaphore_mem>>
      %dma_start3A_45 = arith.constant 0 : i32
      %dma_start3A_46 = tpu.memref_slice %arg11[%add3A_26, %dma_start3A_45] : memref<10240x128xf32, #tpu.memory_space<vmem_shared>> -> memref<128x128xf32, #tpu.memory_space<vmem_shared>>
      %dma_start3A_47 = arith.constant 0 : i32
      %dma_start3A_48 = tpu.memref_slice %arg11[%add3A_26, %dma_start3A_47] : memref<10240x128xf32, #tpu.memory_space<vmem_shared>> -> memref<128x128xf32, #tpu.memory_space<vmem_shared>>
      tpu.enqueue_dma source(%arg9 : memref<128x128xf32, #tpu.memory_space<vmem>>) target(%dma_start3A_48 : memref<128x128xf32, #tpu.memory_space<vmem_shared>>) target_semaphore(%run_scoped3A_44 : memref<!tpu.dma_semaphore, #tpu.memory_space<semaphore_mem>>)
      %dma_wait3A = arith.constant 0 : i32
      %dma_wait3A_49 = tpu.memref_slice %arg11[%add3A_26, %dma_wait3A] : memref<10240x128xf32, #tpu.memory_space<vmem_shared>> -> memref<128x128xf32, #tpu.memory_space<vmem_shared>>
      %dma_wait3A_50 = arith.constant 0 : i32
      %dma_wait3A_51 = tpu.memref_slice %arg11[%add3A_26, %dma_wait3A_50] : memref<10240x128xf32, #tpu.memory_space<vmem_shared>> -> memref<128x128xf32, #tpu.memory_space<vmem_shared>>
      tpu.wait_dma2 semaphore(%run_scoped3A_44 : memref<!tpu.dma_semaphore, #tpu.memory_space<semaphore_mem>>) src(%arg9 : memref<128x128xf32, #tpu.memory_space<vmem>>) dst(%dma_wait3A_51 : memref<128x128xf32, #tpu.memory_space<vmem_shared>>)
      tpu.yield
    }) : () -> ()
    %mul3A_27 = arith.constant 10240 : i32
    %mul3A_28 = arith.muli %add3A, %mul3A_27 : i32
    "tpu.region"() ({
      %run_scoped3A_44 = tpu.sem_alloc : memref<!tpu.dma_semaphore, #tpu.memory_space<semaphore_mem>>
      %dma_start3A_45 = tpu.memref_slice %arg3[%mul3A_28] : memref<327680xi32, #tpu.memory_space<hbm>> -> memref<10240xi32, #tpu.memory_space<hbm>>
      %dma_start3A_46 = tpu.memref_slice %arg3[%mul3A_28] : memref<327680xi32, #tpu.memory_space<hbm>> -> memref<10240xi32, #tpu.memory_space<hbm>>
      tpu.enqueue_dma source(%dma_start3A_46 : memref<10240xi32, #tpu.memory_space<hbm>>) target(%arg6 : memref<10240xi32, #tpu.memory_space<vmem>>) target_semaphore(%run_scoped3A_44 : memref<!tpu.dma_semaphore, #tpu.memory_space<semaphore_mem>>)
      %dma_wait3A = tpu.memref_slice %arg3[%mul3A_28] : memref<327680xi32, #tpu.memory_space<hbm>> -> memref<10240xi32, #tpu.memory_space<hbm>>
      %dma_wait3A_47 = tpu.memref_slice %arg3[%mul3A_28] : memref<327680xi32, #tpu.memory_space<hbm>> -> memref<10240xi32, #tpu.memory_space<hbm>>
      tpu.wait_dma2 semaphore(%run_scoped3A_44 : memref<!tpu.dma_semaphore, #tpu.memory_space<semaphore_mem>>) src(%dma_wait3A_47 : memref<10240xi32, #tpu.memory_space<hbm>>) dst(%arg6 : memref<10240xi32, #tpu.memory_space<vmem>>)
      tpu.yield
    }) : () -> ()
    %barrier3A = arith.constant 0 : index
    tpu.barrier barrier_id(%barrier3A)
    %mul3A_29 = arith.constant 10240 : i32
    %mul3A_30 = arith.muli %add3A, %mul3A_29 : i32
    %run_scoped3A = arith.constant 0 : i32
    "tpu.region"() ({
      %run_scoped3A_44 = tpu.sem_alloc : memref<!tpu.dma_semaphore, #tpu.memory_space<semaphore_mem>>
      %dma_start3A_45 = arith.constant 0 : i32
      %dma_start3A_46 = tpu.memref_slice %arg7[%run_scoped3A, %dma_start3A_45] : memref<1x128xi32, #tpu.memory_space<vmem>> -> memref<1x128xi32, #tpu.memory_space<vmem>>
      %dma_start3A_47 = tpu.memref_squeeze %dma_start3A_46 : memref<1x128xi32, #tpu.memory_space<vmem>> -> memref<128xi32, #tpu.memory_space<vmem>>
      %dma_start3A_48 = tpu.memref_slice %arg4[%mul3A_30] : memref<327680xi32, #tpu.memory_space<hbm>> -> memref<128xi32, #tpu.memory_space<hbm>>
      %dma_start3A_49 = arith.constant 0 : i32
      %dma_start3A_50 = tpu.memref_slice %arg7[%run_scoped3A, %dma_start3A_49] : memref<1x128xi32, #tpu.memory_space<vmem>> -> memref<1x128xi32, #tpu.memory_space<vmem>>
      %dma_start3A_51 = tpu.memref_squeeze %dma_start3A_50 : memref<1x128xi32, #tpu.memory_space<vmem>> -> memref<128xi32, #tpu.memory_space<vmem>>
      %dma_start3A_52 = tpu.memref_slice %arg4[%mul3A_30] : memref<327680xi32, #tpu.memory_space<hbm>> -> memref<128xi32, #tpu.memory_space<hbm>>
      tpu.enqueue_dma source(%dma_start3A_52 : memref<128xi32, #tpu.memory_space<hbm>>) target(%dma_start3A_51 : memref<128xi32, #tpu.memory_space<vmem>>) target_semaphore(%run_scoped3A_44 : memref<!tpu.dma_semaphore, #tpu.memory_space<semaphore_mem>>)
      %dma_wait3A = arith.constant 0 : i32
      %dma_wait3A_53 = tpu.memref_slice %arg7[%run_scoped3A, %dma_wait3A] : memref<1x128xi32, #tpu.memory_space<vmem>> -> memref<1x128xi32, #tpu.memory_space<vmem>>
      %dma_wait3A_54 = tpu.memref_squeeze %dma_wait3A_53 : memref<1x128xi32, #tpu.memory_space<vmem>> -> memref<128xi32, #tpu.memory_space<vmem>>
      %dma_wait3A_55 = tpu.memref_slice %arg4[%mul3A_30] : memref<327680xi32, #tpu.memory_space<hbm>> -> memref<128xi32, #tpu.memory_space<hbm>>
      %dma_wait3A_56 = arith.constant 0 : i32
      %dma_wait3A_57 = tpu.memref_slice %arg7[%run_scoped3A, %dma_wait3A_56] : memref<1x128xi32, #tpu.memory_space<vmem>> -> memref<1x128xi32, #tpu.memory_space<vmem>>
      %dma_wait3A_58 = tpu.memref_squeeze %dma_wait3A_57 : memref<1x128xi32, #tpu.memory_space<vmem>> -> memref<128xi32, #tpu.memory_space<vmem>>
      %dma_wait3A_59 = tpu.memref_slice %arg4[%mul3A_30] : memref<327680xi32, #tpu.memory_space<hbm>> -> memref<128xi32, #tpu.memory_space<hbm>>
      tpu.wait_dma2 semaphore(%run_scoped3A_44 : memref<!tpu.dma_semaphore, #tpu.memory_space<semaphore_mem>>) src(%dma_wait3A_59 : memref<128xi32, #tpu.memory_space<hbm>>) dst(%dma_wait3A_58 : memref<128xi32, #tpu.memory_space<vmem>>)
      tpu.yield
    }) : () -> ()
    %dma_start3A = arith.constant 0 : i32
    %dma_start3A_31 = tpu.memref_slice %arg6[%dma_start3A] : memref<10240xi32, #tpu.memory_space<vmem>> -> memref<128xi32, #tpu.memory_space<vmem>>
    %dma_start3A_32 = arith.constant 0 : i32
    %dma_start3A_33 = arith.constant 0 : i32
    %dma_start3A_34 = tpu.memref_slice %arg2[%dma_start3A_32, %dma_start3A_33] : memref<10000x128xf32, #tpu.memory_space<hbm>> -> memref<10000x128xf32, #tpu.memory_space<hbm>>
    tpu.enqueue_indirect_dma source(%dma_start3A_34 : memref<10000x128xf32, #tpu.memory_space<hbm>>) target(%arg9 : memref<128x128xf32, #tpu.memory_space<vmem>>) offsets(%dma_start3A_31 : memref<128xi32, #tpu.memory_space<vmem>>) semaphore(%arg12 : memref<!tpu.dma_semaphore, #tpu.memory_space<semaphore_mem>>)
    %scan3A_35 = arith.constant 0 : i32
    %scan3A_36 = arith.constant 0 : i32
    %scan3A_37 = arith.constant 40 : i32
    %scan3A_38 = arith.addi %scan3A_36, %scan3A_37 : i32
    %scan3A_39 = arith.constant 1 : i32
    scf.for %scan3A_44 = %scan3A_36 to %scan3A_38 step %scan3A_39  : i32 {
      %mul3A_45 = arith.constant 2 : i32
      %mul3A_46 = arith.muli %mul3A_45, %scan3A_44 : i32
      %add3A_47 = arith.constant 1 : i32
      %add3A_48 = arith.addi %mul3A_46, %add3A_47 : i32
      %mul3A_49 = arith.constant 128 : i32
      %mul3A_50 = arith.muli %add3A_48, %mul3A_49 : i32
      %dma_start3A_51 = tpu.memref_slice %arg6[%mul3A_50] : memref<10240xi32, #tpu.memory_space<vmem>> -> memref<128xi32, #tpu.memory_space<vmem>>
      %dma_start3A_52 = arith.constant 0 : i32
      %dma_start3A_53 = arith.constant 0 : i32
      %dma_start3A_54 = tpu.memref_slice %arg2[%dma_start3A_52, %dma_start3A_53] : memref<10000x128xf32, #tpu.memory_space<hbm>> -> memref<10000x128xf32, #tpu.memory_space<hbm>>
      tpu.enqueue_indirect_dma source(%dma_start3A_54 : memref<10000x128xf32, #tpu.memory_space<hbm>>) target(%arg10 : memref<128x128xf32, #tpu.memory_space<vmem>>) offsets(%dma_start3A_51 : memref<128xi32, #tpu.memory_space<vmem>>) semaphore(%arg13 : memref<!tpu.dma_semaphore, #tpu.memory_space<semaphore_mem>>)
      %mul3A_55 = arith.constant 128 : i32
      %mul3A_56 = arith.muli %add3A_48, %mul3A_55 : i32
      %add3A_57 = arith.addi %mul3A_30, %mul3A_56 : i32
      %run_scoped3A_58 = arith.constant 0 : i32
      "tpu.region"() ({
        %run_scoped3A_74 = tpu.sem_alloc : memref<!tpu.dma_semaphore, #tpu.memory_space<semaphore_mem>>
        %dma_start3A_75 = arith.constant 0 : i32
        %dma_start3A_76 = tpu.memref_slice %arg8[%run_scoped3A_58, %dma_start3A_75] : memref<1x128xi32, #tpu.memory_space<vmem>> -> memref<1x128xi32, #tpu.memory_space<vmem>>
        %dma_start3A_77 = tpu.memref_squeeze %dma_start3A_76 : memref<1x128xi32, #tpu.memory_space<vmem>> -> memref<128xi32, #tpu.memory_space<vmem>>
        %dma_start3A_78 = tpu.memref_slice %arg4[%add3A_57] : memref<327680xi32, #tpu.memory_space<hbm>> -> memref<128xi32, #tpu.memory_space<hbm>>
        %dma_start3A_79 = arith.constant 0 : i32
        %dma_start3A_80 = tpu.memref_slice %arg8[%run_scoped3A_58, %dma_start3A_79] : memref<1x128xi32, #tpu.memory_space<vmem>> -> memref<1x128xi32, #tpu.memory_space<vmem>>
        %dma_start3A_81 = tpu.memref_squeeze %dma_start3A_80 : memref<1x128xi32, #tpu.memory_space<vmem>> -> memref<128xi32, #tpu.memory_space<vmem>>
        %dma_start3A_82 = tpu.memref_slice %arg4[%add3A_57] : memref<327680xi32, #tpu.memory_space<hbm>> -> memref<128xi32, #tpu.memory_space<hbm>>
        tpu.enqueue_dma source(%dma_start3A_82 : memref<128xi32, #tpu.memory_space<hbm>>) target(%dma_start3A_81 : memref<128xi32, #tpu.memory_space<vmem>>) target_semaphore(%run_scoped3A_74 : memref<!tpu.dma_semaphore, #tpu.memory_space<semaphore_mem>>)
        %dma_wait3A_83 = arith.constant 0 : i32
        %dma_wait3A_84 = tpu.memref_slice %arg8[%run_scoped3A_58, %dma_wait3A_83] : memref<1x128xi32, #tpu.memory_space<vmem>> -> memref<1x128xi32, #tpu.memory_space<vmem>>
        %dma_wait3A_85 = tpu.memref_squeeze %dma_wait3A_84 : memref<1x128xi32, #tpu.memory_space<vmem>> -> memref<128xi32, #tpu.memory_space<vmem>>
        %dma_wait3A_86 = tpu.memref_slice %arg4[%add3A_57] : memref<327680xi32, #tpu.memory_space<hbm>> -> memref<128xi32, #tpu.memory_space<hbm>>
        %dma_wait3A_87 = arith.constant 0 : i32
        %dma_wait3A_88 = tpu.memref_slice %arg8[%run_scoped3A_58, %dma_wait3A_87] : memref<1x128xi32, #tpu.memory_space<vmem>> -> memref<1x128xi32, #tpu.memory_space<vmem>>
        %dma_wait3A_89 = tpu.memref_squeeze %dma_wait3A_88 : memref<1x128xi32, #tpu.memory_space<vmem>> -> memref<128xi32, #tpu.memory_space<vmem>>
        %dma_wait3A_90 = tpu.memref_slice %arg4[%add3A_57] : memref<327680xi32, #tpu.memory_space<hbm>> -> memref<128xi32, #tpu.memory_space<hbm>>
        tpu.wait_dma2 semaphore(%run_scoped3A_74 : memref<!tpu.dma_semaphore, #tpu.memory_space<semaphore_mem>>) src(%dma_wait3A_90 : memref<128xi32, #tpu.memory_space<hbm>>) dst(%dma_wait3A_89 : memref<128xi32, #tpu.memory_space<vmem>>)
        tpu.yield
      }) : () -> ()
      %mul3A_59 = arith.constant 128 : i32
      %mul3A_60 = arith.muli %mul3A_46, %mul3A_59 : i32
      %dma_wait3A = tpu.memref_slice %arg6[%mul3A_60] : memref<10240xi32, #tpu.memory_space<vmem>> -> memref<128xi32, #tpu.memory_space<vmem>>
      %dma_wait3A_61 = arith.constant 0 : i32
      %dma_wait3A_62 = arith.constant 0 : i32
      %dma_wait3A_63 = tpu.memref_slice %arg2[%dma_wait3A_61, %dma_wait3A_62] : memref<10000x128xf32, #tpu.memory_space<hbm>> -> memref<10000x128xf32, #tpu.memory_space<hbm>>
      tpu.wait_indirect_dma semaphore(%arg12 : memref<!tpu.dma_semaphore, #tpu.memory_space<semaphore_mem>>) src(%dma_wait3A_63 : memref<10000x128xf32, #tpu.memory_space<hbm>>) dst(%arg9 : memref<128x128xf32, #tpu.memory_space<vmem>>)
      %run_scoped3A_64 = arith.constant 0 : i32
      "tpu.region"() ({
        %run_scoped3A_74 = tpu.sem_alloc : memref<!tpu.dma_semaphore, #tpu.memory_space<semaphore_mem>>
        %dma_start3A_75 = arith.constant 0 : i32
        %dma_start3A_76 = tpu.memref_slice %arg7[%run_scoped3A_64, %dma_start3A_75] : memref<1x128xi32, #tpu.memory_space<vmem>> -> memref<1x128xi32, #tpu.memory_space<vmem>>
        %dma_start3A_77 = tpu.memref_squeeze %dma_start3A_76 : memref<1x128xi32, #tpu.memory_space<vmem>> -> memref<128xi32, #tpu.memory_space<vmem>>
        %dma_start3A_78 = arith.constant 0 : i32
        %dma_start3A_79 = arith.constant 0 : i32
        %dma_start3A_80 = tpu.memref_slice %arg11[%dma_start3A_78, %dma_start3A_79] : memref<10240x128xf32, #tpu.memory_space<vmem_shared>> -> memref<10240x128xf32, #tpu.memory_space<vmem_shared>>
        tpu.enqueue_indirect_dma source(%arg9 : memref<128x128xf32, #tpu.memory_space<vmem>>) target(%dma_start3A_80 : memref<10240x128xf32, #tpu.memory_space<vmem_shared>>) offsets(%dma_start3A_77 : memref<128xi32, #tpu.memory_space<vmem>>) semaphore(%run_scoped3A_74 : memref<!tpu.dma_semaphore, #tpu.memory_space<semaphore_mem>>) {add = true}
        %dma_wait3A_81 = arith.constant 0 : i32
        %dma_wait3A_82 = tpu.memref_slice %arg7[%run_scoped3A_64, %dma_wait3A_81] : memref<1x128xi32, #tpu.memory_space<vmem>> -> memref<1x128xi32, #tpu.memory_space<vmem>>
        %dma_wait3A_83 = tpu.memref_squeeze %dma_wait3A_82 : memref<1x128xi32, #tpu.memory_space<vmem>> -> memref<128xi32, #tpu.memory_space<vmem>>
        %dma_wait3A_84 = arith.constant 0 : i32
        %dma_wait3A_85 = arith.constant 0 : i32
        %dma_wait3A_86 = tpu.memref_slice %arg11[%dma_wait3A_84, %dma_wait3A_85] : memref<10240x128xf32, #tpu.memory_space<vmem_shared>> -> memref<10240x128xf32, #tpu.memory_space<vmem_shared>>
        tpu.wait_indirect_dma semaphore(%run_scoped3A_74 : memref<!tpu.dma_semaphore, #tpu.memory_space<semaphore_mem>>) src(%arg9 : memref<128x128xf32, #tpu.memory_space<vmem>>) dst(%dma_wait3A_86 : memref<10240x128xf32, #tpu.memory_space<vmem_shared>>)
        tpu.yield
      }) : () -> ()
      %lt3A = arith.constant 39 : i32
      %lt3A_65 = arith.cmpi slt, %scan3A_44, %lt3A : i32
      %convert_element_type3A = arith.extui %lt3A_65 : i1 to i32
      %cond3A = arith.constant 0 : i32
      %cond3A_66 = arith.cmpi ne, %convert_element_type3A, %cond3A : i32
      scf.if %cond3A_66 {
        %add3A_74 = arith.constant 2 : i32
        %add3A_75 = arith.addi %mul3A_46, %add3A_74 : i32
        %mul3A_76 = arith.constant 128 : i32
        %mul3A_77 = arith.muli %add3A_75, %mul3A_76 : i32
        %dma_start3A_78 = tpu.memref_slice %arg6[%mul3A_77] : memref<10240xi32, #tpu.memory_space<vmem>> -> memref<128xi32, #tpu.memory_space<vmem>>
        %dma_start3A_79 = arith.constant 0 : i32
        %dma_start3A_80 = arith.constant 0 : i32
        %dma_start3A_81 = tpu.memref_slice %arg2[%dma_start3A_79, %dma_start3A_80] : memref<10000x128xf32, #tpu.memory_space<hbm>> -> memref<10000x128xf32, #tpu.memory_space<hbm>>
        tpu.enqueue_indirect_dma source(%dma_start3A_81 : memref<10000x128xf32, #tpu.memory_space<hbm>>) target(%arg9 : memref<128x128xf32, #tpu.memory_space<vmem>>) offsets(%dma_start3A_78 : memref<128xi32, #tpu.memory_space<vmem>>) semaphore(%arg12 : memref<!tpu.dma_semaphore, #tpu.memory_space<semaphore_mem>>)
        %add3A_82 = arith.constant 2 : i32
        %add3A_83 = arith.addi %mul3A_46, %add3A_82 : i32
        %mul3A_84 = arith.constant 128 : i32
        %mul3A_85 = arith.muli %add3A_83, %mul3A_84 : i32
        %add3A_86 = arith.addi %mul3A_30, %mul3A_85 : i32
        %run_scoped3A_87 = arith.constant 0 : i32
        "tpu.region"() ({
          %run_scoped3A_88 = tpu.sem_alloc : memref<!tpu.dma_semaphore, #tpu.memory_space<semaphore_mem>>
          %dma_start3A_89 = arith.constant 0 : i32
          %dma_start3A_90 = tpu.memref_slice %arg7[%run_scoped3A_87, %dma_start3A_89] : memref<1x128xi32, #tpu.memory_space<vmem>> -> memref<1x128xi32, #tpu.memory_space<vmem>>
          %dma_start3A_91 = tpu.memref_squeeze %dma_start3A_90 : memref<1x128xi32, #tpu.memory_space<vmem>> -> memref<128xi32, #tpu.memory_space<vmem>>
          %dma_start3A_92 = tpu.memref_slice %arg4[%add3A_86] : memref<327680xi32, #tpu.memory_space<hbm>> -> memref<128xi32, #tpu.memory_space<hbm>>
          %dma_start3A_93 = arith.constant 0 : i32
          %dma_start3A_94 = tpu.memref_slice %arg7[%run_scoped3A_87, %dma_start3A_93] : memref<1x128xi32, #tpu.memory_space<vmem>> -> memref<1x128xi32, #tpu.memory_space<vmem>>
          %dma_start3A_95 = tpu.memref_squeeze %dma_start3A_94 : memref<1x128xi32, #tpu.memory_space<vmem>> -> memref<128xi32, #tpu.memory_space<vmem>>
          %dma_start3A_96 = tpu.memref_slice %arg4[%add3A_86] : memref<327680xi32, #tpu.memory_space<hbm>> -> memref<128xi32, #tpu.memory_space<hbm>>
          tpu.enqueue_dma source(%dma_start3A_96 : memref<128xi32, #tpu.memory_space<hbm>>) target(%dma_start3A_95 : memref<128xi32, #tpu.memory_space<vmem>>) target_semaphore(%run_scoped3A_88 : memref<!tpu.dma_semaphore, #tpu.memory_space<semaphore_mem>>)
          %dma_wait3A_97 = arith.constant 0 : i32
          %dma_wait3A_98 = tpu.memref_slice %arg7[%run_scoped3A_87, %dma_wait3A_97] : memref<1x128xi32, #tpu.memory_space<vmem>> -> memref<1x128xi32, #tpu.memory_space<vmem>>
          %dma_wait3A_99 = tpu.memref_squeeze %dma_wait3A_98 : memref<1x128xi32, #tpu.memory_space<vmem>> -> memref<128xi32, #tpu.memory_space<vmem>>
          %dma_wait3A_100 = tpu.memref_slice %arg4[%add3A_86] : memref<327680xi32, #tpu.memory_space<hbm>> -> memref<128xi32, #tpu.memory_space<hbm>>
          %dma_wait3A_101 = arith.constant 0 : i32
          %dma_wait3A_102 = tpu.memref_slice %arg7[%run_scoped3A_87, %dma_wait3A_101] : memref<1x128xi32, #tpu.memory_space<vmem>> -> memref<1x128xi32, #tpu.memory_space<vmem>>
          %dma_wait3A_103 = tpu.memref_squeeze %dma_wait3A_102 : memref<1x128xi32, #tpu.memory_space<vmem>> -> memref<128xi32, #tpu.memory_space<vmem>>
          %dma_wait3A_104 = tpu.memref_slice %arg4[%add3A_86] : memref<327680xi32, #tpu.memory_space<hbm>> -> memref<128xi32, #tpu.memory_space<hbm>>
          tpu.wait_dma2 semaphore(%run_scoped3A_88 : memref<!tpu.dma_semaphore, #tpu.memory_space<semaphore_mem>>) src(%dma_wait3A_104 : memref<128xi32, #tpu.memory_space<hbm>>) dst(%dma_wait3A_103 : memref<128xi32, #tpu.memory_space<vmem>>)
          tpu.yield
        }) : () -> ()
      } else {
      }
      %mul3A_67 = arith.constant 128 : i32
      %mul3A_68 = arith.muli %add3A_48, %mul3A_67 : i32
      %dma_wait3A_69 = tpu.memref_slice %arg6[%mul3A_68] : memref<10240xi32, #tpu.memory_space<vmem>> -> memref<128xi32, #tpu.memory_space<vmem>>
      %dma_wait3A_70 = arith.constant 0 : i32
      %dma_wait3A_71 = arith.constant 0 : i32
      %dma_wait3A_72 = tpu.memref_slice %arg2[%dma_wait3A_70, %dma_wait3A_71] : memref<10000x128xf32, #tpu.memory_space<hbm>> -> memref<10000x128xf32, #tpu.memory_space<hbm>>
      tpu.wait_indirect_dma semaphore(%arg13 : memref<!tpu.dma_semaphore, #tpu.memory_space<semaphore_mem>>) src(%dma_wait3A_72 : memref<10000x128xf32, #tpu.memory_space<hbm>>) dst(%arg10 : memref<128x128xf32, #tpu.memory_space<vmem>>)
      %run_scoped3A_73 = arith.constant 0 : i32
      "tpu.region"() ({
        %run_scoped3A_74 = tpu.sem_alloc : memref<!tpu.dma_semaphore, #tpu.memory_space<semaphore_mem>>
        %dma_start3A_75 = arith.constant 0 : i32
        %dma_start3A_76 = tpu.memref_slice %arg8[%run_scoped3A_73, %dma_start3A_75] : memref<1x128xi32, #tpu.memory_space<vmem>> -> memref<1x128xi32, #tpu.memory_space<vmem>>
        %dma_start3A_77 = tpu.memref_squeeze %dma_start3A_76 : memref<1x128xi32, #tpu.memory_space<vmem>> -> memref<128xi32, #tpu.memory_space<vmem>>
        %dma_start3A_78 = arith.constant 0 : i32
        %dma_start3A_79 = arith.constant 0 : i32
        %dma_start3A_80 = tpu.memref_slice %arg11[%dma_start3A_78, %dma_start3A_79] : memref<10240x128xf32, #tpu.memory_space<vmem_shared>> -> memref<10240x128xf32, #tpu.memory_space<vmem_shared>>
        tpu.enqueue_indirect_dma source(%arg10 : memref<128x128xf32, #tpu.memory_space<vmem>>) target(%dma_start3A_80 : memref<10240x128xf32, #tpu.memory_space<vmem_shared>>) offsets(%dma_start3A_77 : memref<128xi32, #tpu.memory_space<vmem>>) semaphore(%run_scoped3A_74 : memref<!tpu.dma_semaphore, #tpu.memory_space<semaphore_mem>>) {add = true}
        %dma_wait3A_81 = arith.constant 0 : i32
        %dma_wait3A_82 = tpu.memref_slice %arg8[%run_scoped3A_73, %dma_wait3A_81] : memref<1x128xi32, #tpu.memory_space<vmem>> -> memref<1x128xi32, #tpu.memory_space<vmem>>
        %dma_wait3A_83 = tpu.memref_squeeze %dma_wait3A_82 : memref<1x128xi32, #tpu.memory_space<vmem>> -> memref<128xi32, #tpu.memory_space<vmem>>
        %dma_wait3A_84 = arith.constant 0 : i32
        %dma_wait3A_85 = arith.constant 0 : i32
        %dma_wait3A_86 = tpu.memref_slice %arg11[%dma_wait3A_84, %dma_wait3A_85] : memref<10240x128xf32, #tpu.memory_space<vmem_shared>> -> memref<10240x128xf32, #tpu.memory_space<vmem_shared>>
        tpu.wait_indirect_dma semaphore(%run_scoped3A_74 : memref<!tpu.dma_semaphore, #tpu.memory_space<semaphore_mem>>) src(%arg10 : memref<128x128xf32, #tpu.memory_space<vmem>>) dst(%dma_wait3A_86 : memref<10240x128xf32, #tpu.memory_space<vmem_shared>>)
        tpu.yield
      }) : () -> ()
    }
    %scan3A_40 = arith.constant 40 : i32
    %barrier3A_41 = arith.constant 0 : index
    tpu.barrier barrier_id(%barrier3A_41)
    %mul3A_42 = arith.constant 640 : i32
    %mul3A_43 = arith.muli %arg1, %mul3A_42 : i32
    "tpu.region"() ({
      %run_scoped3A_44 = tpu.sem_alloc : memref<!tpu.dma_semaphore, #tpu.memory_space<semaphore_mem>>
      %dma_start3A_45 = arith.constant 0 : i32
      %dma_start3A_46 = tpu.memref_slice %arg5[%arg0, %mul3A_43, %dma_start3A_45] : memref<2x10240x128xf32, #tpu.memory_space<hbm>> -> memref<1x640x128xf32, #tpu.memory_space<hbm>>
      %dma_start3A_47 = tpu.memref_squeeze %dma_start3A_46 : memref<1x640x128xf32, #tpu.memory_space<hbm>> -> memref<640x128xf32, #tpu.memory_space<hbm>>
      %dma_start3A_48 = arith.constant 0 : i32
      %dma_start3A_49 = tpu.memref_slice %arg11[%mul3A_43, %dma_start3A_48] : memref<10240x128xf32, #tpu.memory_space<vmem_shared>> -> memref<640x128xf32, #tpu.memory_space<vmem_shared>>
      tpu.enqueue_dma source(%dma_start3A_49 : memref<640x128xf32, #tpu.memory_space<vmem_shared>>) target(%dma_start3A_47 : memref<640x128xf32, #tpu.memory_space<hbm>>) target_semaphore(%run_scoped3A_44 : memref<!tpu.dma_semaphore, #tpu.memory_space<semaphore_mem>>)
      %dma_wait3A = arith.constant 0 : i32
      %dma_wait3A_50 = tpu.memref_slice %arg5[%arg0, %mul3A_43, %dma_wait3A] : memref<2x10240x128xf32, #tpu.memory_space<hbm>> -> memref<1x640x128xf32, #tpu.memory_space<hbm>>
      %dma_wait3A_51 = tpu.memref_squeeze %dma_wait3A_50 : memref<1x640x128xf32, #tpu.memory_space<hbm>> -> memref<640x128xf32, #tpu.memory_space<hbm>>
      %dma_wait3A_52 = arith.constant 0 : i32
      %dma_wait3A_53 = tpu.memref_slice %arg11[%mul3A_43, %dma_wait3A_52] : memref<10240x128xf32, #tpu.memory_space<vmem_shared>> -> memref<640x128xf32, #tpu.memory_space<vmem_shared>>
      tpu.wait_dma2 semaphore(%run_scoped3A_44 : memref<!tpu.dma_semaphore, #tpu.memory_space<semaphore_mem>>) src(%dma_wait3A_53 : memref<640x128xf32, #tpu.memory_space<vmem_shared>>) dst(%dma_wait3A_51 : memref<640x128xf32, #tpu.memory_space<hbm>>)
      tpu.yield
    }) : () -> ()
    return
  }
}

#map = affine_map<(d0, d1) -> (0, 0)>
#map1 = affine_map<(d0, d1) -> (0)>
#map2 = affine_map<(d0, d1) -> (0, 0, 0)>
module attributes {stable_mosaic.version = 14 : i64} {
  func.func @_prop_body(%arg0: i32, %arg1: i32, %arg2: memref<10000x128xf32, #tpu.memory_space<hbm>>, %arg3: memref<327680xi32, #tpu.memory_space<hbm>>, %arg4: memref<327680xi32, #tpu.memory_space<hbm>>, %arg5: memref<2x10240x128xf32, #tpu.memory_space<hbm>>, %arg6: memref<10240xi32, #tpu.memory_space<vmem>>, %arg7: memref<1x128xi32, #tpu.memory_space<vmem>>, %arg8: memref<1x128xi32, #tpu.memory_space<vmem>>, %arg9: memref<128x128xf32, #tpu.memory_space<vmem>>, %arg10: memref<128x128xf32, #tpu.memory_space<vmem>>, %arg11: memref<10240x128xf32, #tpu.memory_space<vmem_shared>>, %arg12: memref<!tpu.dma_semaphore, #tpu.memory_space<semaphore_mem>>, %arg13: memref<!tpu.dma_semaphore, #tpu.memory_space<semaphore_mem>>) attributes {dimension_semantics = [#tpu.dimension_semantics<core_parallel>, #tpu.dimension_semantics<subcore_parallel>], iteration_bounds = array<i64: 2, 16>, scalar_prefetch = 0 : i64, scratch_operands = 8 : i64, tpu.core_type = #tpu.core_type<sc_vector_subcore>, window_params = [{transform_indices = #map}, {transform_indices = #map1}, {transform_indices = #map1}, {transform_indices = #map2}]} {
    %mul3A = arith.constant 16 : i32
    %mul3A_0 = arith.muli %arg0, %mul3A : i32
    %add3A = arith.addi %mul3A_0, %arg1 : i32
    %broadcast_in_dim3A = arith.constant 0.000000e+00 : f32
    %broadcast_in_dim3A_1 = vector.broadcast %broadcast_in_dim3A : f32 to vector<16xf32>
    %scan3A = arith.constant 0 : i32
    %scan3A_2 = arith.constant 0 : i32
    %scan3A_3 = arith.constant 128 : i32
    %scan3A_4 = arith.addi %scan3A_2, %scan3A_3 : i32
    %scan3A_5 = arith.constant 1 : i32
    scf.for %scan3A_44 = %scan3A_2 to %scan3A_4 step %scan3A_5  : i32 {
      %swap3A = arith.index_cast %scan3A_44 : i32 to index
      %swap3A_45 = arith.constant 0 : index
      %swap3A_46 = tpu.vector_load %arg9[%swap3A, %swap3A_45] {strides = array<i32>} : memref<128x128xf32, #tpu.memory_space<vmem>>, vector<1x16xf32>,
      %swap3A_47 = vector.shape_cast %swap3A_46 : vector<1x16xf32> to vector<16xf32>
      %swap3A_48 = vector.shape_cast %broadcast_in_dim3A_1 : vector<16xf32> to vector<1x16xf32>
      tpu.vector_store %arg9[%swap3A, %swap3A_45], %swap3A_48 {strides = array<i32>} : memref<128x128xf32, #tpu.memory_space<vmem>>, vector<1x16xf32>,
      %swap3A_49 = arith.index_cast %scan3A_44 : i32 to index
      %swap3A_50 = arith.constant 16 : index
      %swap3A_51 = tpu.vector_load %arg9[%swap3A_49, %swap3A_50] {strides = array<i32>} : memref<128x128xf32, #tpu.memory_space<vmem>>, vector<1x16xf32>,
      %swap3A_52 = vector.shape_cast %swap3A_51 : vector<1x16xf32> to vector<16xf32>
      %swap3A_53 = vector.shape_cast %broadcast_in_dim3A_1 : vector<16xf32> to vector<1x16xf32>
      tpu.vector_store %arg9[%swap3A_49, %swap3A_50], %swap3A_53 {strides = array<i32>} : memref<128x128xf32, #tpu.memory_space<vmem>>, vector<1x16xf32>,
      %swap3A_54 = arith.index_cast %scan3A_44 : i32 to index
      %swap3A_55 = arith.constant 32 : index
      %swap3A_56 = tpu.vector_load %arg9[%swap3A_54, %swap3A_55] {strides = array<i32>} : memref<128x128xf32, #tpu.memory_space<vmem>>, vector<1x16xf32>,
      %swap3A_57 = vector.shape_cast %swap3A_56 : vector<1x16xf32> to vector<16xf32>
      %swap3A_58 = vector.shape_cast %broadcast_in_dim3A_1 : vector<16xf32> to vector<1x16xf32>
      tpu.vector_store %arg9[%swap3A_54, %swap3A_55], %swap3A_58 {strides = array<i32>} : memref<128x128xf32, #tpu.memory_space<vmem>>, vector<1x16xf32>,
      %swap3A_59 = arith.index_cast %scan3A_44 : i32 to index
      %swap3A_60 = arith.constant 48 : index
      %swap3A_61 = tpu.vector_load %arg9[%swap3A_59, %swap3A_60] {strides = array<i32>} : memref<128x128xf32, #tpu.memory_space<vmem>>, vector<1x16xf32>,
      %swap3A_62 = vector.shape_cast %swap3A_61 : vector<1x16xf32> to vector<16xf32>
      %swap3A_63 = vector.shape_cast %broadcast_in_dim3A_1 : vector<16xf32> to vector<1x16xf32>
      tpu.vector_store %arg9[%swap3A_59, %swap3A_60], %swap3A_63 {strides = array<i32>} : memref<128x128xf32, #tpu.memory_space<vmem>>, vector<1x16xf32>,
      %swap3A_64 = arith.index_cast %scan3A_44 : i32 to index
      %swap3A_65 = arith.constant 64 : index
      %swap3A_66 = tpu.vector_load %arg9[%swap3A_64, %swap3A_65] {strides = array<i32>} : memref<128x128xf32, #tpu.memory_space<vmem>>, vector<1x16xf32>,
      %swap3A_67 = vector.shape_cast %swap3A_66 : vector<1x16xf32> to vector<16xf32>
      %swap3A_68 = vector.shape_cast %broadcast_in_dim3A_1 : vector<16xf32> to vector<1x16xf32>
      tpu.vector_store %arg9[%swap3A_64, %swap3A_65], %swap3A_68 {strides = array<i32>} : memref<128x128xf32, #tpu.memory_space<vmem>>, vector<1x16xf32>,
      %swap3A_69 = arith.index_cast %scan3A_44 : i32 to index
      %swap3A_70 = arith.constant 80 : index
      %swap3A_71 = tpu.vector_load %arg9[%swap3A_69, %swap3A_70] {strides = array<i32>} : memref<128x128xf32, #tpu.memory_space<vmem>>, vector<1x16xf32>,
      %swap3A_72 = vector.shape_cast %swap3A_71 : vector<1x16xf32> to vector<16xf32>
      %swap3A_73 = vector.shape_cast %broadcast_in_dim3A_1 : vector<16xf32> to vector<1x16xf32>
      tpu.vector_store %arg9[%swap3A_69, %swap3A_70], %swap3A_73 {strides = array<i32>} : memref<128x128xf32, #tpu.memory_space<vmem>>, vector<1x16xf32>,
      %swap3A_74 = arith.index_cast %scan3A_44 : i32 to index
      %swap3A_75 = arith.constant 96 : index
      %swap3A_76 = tpu.vector_load %arg9[%swap3A_74, %swap3A_75] {strides = array<i32>} : memref<128x128xf32, #tpu.memory_space<vmem>>, vector<1x16xf32>,
      %swap3A_77 = vector.shape_cast %swap3A_76 : vector<1x16xf32> to vector<16xf32>
      %swap3A_78 = vector.shape_cast %broadcast_in_dim3A_1 : vector<16xf32> to vector<1x16xf32>
      tpu.vector_store %arg9[%swap3A_74, %swap3A_75], %swap3A_78 {strides = array<i32>} : memref<128x128xf32, #tpu.memory_space<vmem>>, vector<1x16xf32>,
      %swap3A_79 = arith.index_cast %scan3A_44 : i32 to index
      %swap3A_80 = arith.constant 112 : index
      %swap3A_81 = tpu.vector_load %arg9[%swap3A_79, %swap3A_80] {strides = array<i32>} : memref<128x128xf32, #tpu.memory_space<vmem>>, vector<1x16xf32>,
      %swap3A_82 = vector.shape_cast %swap3A_81 : vector<1x16xf32> to vector<16xf32>
      %swap3A_83 = vector.shape_cast %broadcast_in_dim3A_1 : vector<16xf32> to vector<1x16xf32>
      tpu.vector_store %arg9[%swap3A_79, %swap3A_80], %swap3A_83 {strides = array<i32>} : memref<128x128xf32, #tpu.memory_space<vmem>>, vector<1x16xf32>,
    }
    %scan3A_6 = arith.constant 128 : i32
    %mul3A_7 = arith.constant 640 : i32
    %mul3A_8 = arith.muli %arg1, %mul3A_7 : i32
    %add3A_9 = arith.constant 0 : i32
    %add3A_10 = arith.addi %mul3A_8, %add3A_9 : i32
    "tpu.region"() ({
      %run_scoped3A_44 = tpu.sem_alloc : memref<!tpu.dma_semaphore, #tpu.memory_space<semaphore_mem>>
      %dma_start3A_45 = arith.constant 0 : i32
      %dma_start3A_46 = tpu.memref_slice %arg11[%add3A_10, %dma_start3A_45] : memref<10240x128xf32, #tpu.memory_space<vmem_shared>> -> memref<128x128xf32, #tpu.memory_space<vmem_shared>>
      %dma_start3A_47 = arith.constant 0 : i32
      %dma_start3A_48 = tpu.memref_slice %arg11[%add3A_10, %dma_start3A_47] : memref<10240x128xf32, #tpu.memory_space<vmem_shared>> -> memref<128x128xf32, #tpu.memory_space<vmem_shared>>
      tpu.enqueue_dma source(%arg9 : memref<128x128xf32, #tpu.memory_space<vmem>>) target(%dma_start3A_48 : memref<128x128xf32, #tpu.memory_space<vmem_shared>>) target_semaphore(%run_scoped3A_44 : memref<!tpu.dma_semaphore, #tpu.memory_space<semaphore_mem>>)
      %dma_wait3A = arith.constant 0 : i32
      %dma_wait3A_49 = tpu.memref_slice %arg11[%add3A_10, %dma_wait3A] : memref<10240x128xf32, #tpu.memory_space<vmem_shared>> -> memref<128x128xf32, #tpu.memory_space<vmem_shared>>
      %dma_wait3A_50 = arith.constant 0 : i32
      %dma_wait3A_51 = tpu.memref_slice %arg11[%add3A_10, %dma_wait3A_50] : memref<10240x128xf32, #tpu.memory_space<vmem_shared>> -> memref<128x128xf32, #tpu.memory_space<vmem_shared>>
      tpu.wait_dma2 semaphore(%run_scoped3A_44 : memref<!tpu.dma_semaphore, #tpu.memory_space<semaphore_mem>>) src(%arg9 : memref<128x128xf32, #tpu.memory_space<vmem>>) dst(%dma_wait3A_51 : memref<128x128xf32, #tpu.memory_space<vmem_shared>>)
      tpu.yield
    }) : () -> ()
    %mul3A_11 = arith.constant 640 : i32
    %mul3A_12 = arith.muli %arg1, %mul3A_11 : i32
    %add3A_13 = arith.constant 128 : i32
    %add3A_14 = arith.addi %mul3A_12, %add3A_13 : i32
    "tpu.region"() ({
      %run_scoped3A_44 = tpu.sem_alloc : memref<!tpu.dma_semaphore, #tpu.memory_space<semaphore_mem>>
      %dma_start3A_45 = arith.constant 0 : i32
      %dma_start3A_46 = tpu.memref_slice %arg11[%add3A_14, %dma_start3A_45] : memref<10240x128xf32, #tpu.memory_space<vmem_shared>> -> memref<128x128xf32, #tpu.memory_space<vmem_shared>>
      %dma_start3A_47 = arith.constant 0 : i32
      %dma_start3A_48 = tpu.memref_slice %arg11[%add3A_14, %dma_start3A_47] : memref<10240x128xf32, #tpu.memory_space<vmem_shared>> -> memref<128x128xf32, #tpu.memory_space<vmem_shared>>
      tpu.enqueue_dma source(%arg9 : memref<128x128xf32, #tpu.memory_space<vmem>>) target(%dma_start3A_48 : memref<128x128xf32, #tpu.memory_space<vmem_shared>>) target_semaphore(%run_scoped3A_44 : memref<!tpu.dma_semaphore, #tpu.memory_space<semaphore_mem>>)
      %dma_wait3A = arith.constant 0 : i32
      %dma_wait3A_49 = tpu.memref_slice %arg11[%add3A_14, %dma_wait3A] : memref<10240x128xf32, #tpu.memory_space<vmem_shared>> -> memref<128x128xf32, #tpu.memory_space<vmem_shared>>
      %dma_wait3A_50 = arith.constant 0 : i32
      %dma_wait3A_51 = tpu.memref_slice %arg11[%add3A_14, %dma_wait3A_50] : memref<10240x128xf32, #tpu.memory_space<vmem_shared>> -> memref<128x128xf32, #tpu.memory_space<vmem_shared>>
      tpu.wait_dma2 semaphore(%run_scoped3A_44 : memref<!tpu.dma_semaphore, #tpu.memory_space<semaphore_mem>>) src(%arg9 : memref<128x128xf32, #tpu.memory_space<vmem>>) dst(%dma_wait3A_51 : memref<128x128xf32, #tpu.memory_space<vmem_shared>>)
      tpu.yield
    }) : () -> ()
    %mul3A_15 = arith.constant 640 : i32
    %mul3A_16 = arith.muli %arg1, %mul3A_15 : i32
    %add3A_17 = arith.constant 256 : i32
    %add3A_18 = arith.addi %mul3A_16, %add3A_17 : i32
    "tpu.region"() ({
      %run_scoped3A_44 = tpu.sem_alloc : memref<!tpu.dma_semaphore, #tpu.memory_space<semaphore_mem>>
      %dma_start3A_45 = arith.constant 0 : i32
      %dma_start3A_46 = tpu.memref_slice %arg11[%add3A_18, %dma_start3A_45] : memref<10240x128xf32, #tpu.memory_space<vmem_shared>> -> memref<128x128xf32, #tpu.memory_space<vmem_shared>>
      %dma_start3A_47 = arith.constant 0 : i32
      %dma_start3A_48 = tpu.memref_slice %arg11[%add3A_18, %dma_start3A_47] : memref<10240x128xf32, #tpu.memory_space<vmem_shared>> -> memref<128x128xf32, #tpu.memory_space<vmem_shared>>
      tpu.enqueue_dma source(%arg9 : memref<128x128xf32, #tpu.memory_space<vmem>>) target(%dma_start3A_48 : memref<128x128xf32, #tpu.memory_space<vmem_shared>>) target_semaphore(%run_scoped3A_44 : memref<!tpu.dma_semaphore, #tpu.memory_space<semaphore_mem>>)
      %dma_wait3A = arith.constant 0 : i32
      %dma_wait3A_49 = tpu.memref_slice %arg11[%add3A_18, %dma_wait3A] : memref<10240x128xf32, #tpu.memory_space<vmem_shared>> -> memref<128x128xf32, #tpu.memory_space<vmem_shared>>
      %dma_wait3A_50 = arith.constant 0 : i32
      %dma_wait3A_51 = tpu.memref_slice %arg11[%add3A_18, %dma_wait3A_50] : memref<10240x128xf32, #tpu.memory_space<vmem_shared>> -> memref<128x128xf32, #tpu.memory_space<vmem_shared>>
      tpu.wait_dma2 semaphore(%run_scoped3A_44 : memref<!tpu.dma_semaphore, #tpu.memory_space<semaphore_mem>>) src(%arg9 : memref<128x128xf32, #tpu.memory_space<vmem>>) dst(%dma_wait3A_51 : memref<128x128xf32, #tpu.memory_space<vmem_shared>>)
      tpu.yield
    }) : () -> ()
    %mul3A_19 = arith.constant 640 : i32
    %mul3A_20 = arith.muli %arg1, %mul3A_19 : i32
    %add3A_21 = arith.constant 384 : i32
    %add3A_22 = arith.addi %mul3A_20, %add3A_21 : i32
    "tpu.region"() ({
      %run_scoped3A_44 = tpu.sem_alloc : memref<!tpu.dma_semaphore, #tpu.memory_space<semaphore_mem>>
      %dma_start3A_45 = arith.constant 0 : i32
      %dma_start3A_46 = tpu.memref_slice %arg11[%add3A_22, %dma_start3A_45] : memref<10240x128xf32, #tpu.memory_space<vmem_shared>> -> memref<128x128xf32, #tpu.memory_space<vmem_shared>>
      %dma_start3A_47 = arith.constant 0 : i32
      %dma_start3A_48 = tpu.memref_slice %arg11[%add3A_22, %dma_start3A_47] : memref<10240x128xf32, #tpu.memory_space<vmem_shared>> -> memref<128x128xf32, #tpu.memory_space<vmem_shared>>
      tpu.enqueue_dma source(%arg9 : memref<128x128xf32, #tpu.memory_space<vmem>>) target(%dma_start3A_48 : memref<128x128xf32, #tpu.memory_space<vmem_shared>>) target_semaphore(%run_scoped3A_44 : memref<!tpu.dma_semaphore, #tpu.memory_space<semaphore_mem>>)
      %dma_wait3A = arith.constant 0 : i32
      %dma_wait3A_49 = tpu.memref_slice %arg11[%add3A_22, %dma_wait3A] : memref<10240x128xf32, #tpu.memory_space<vmem_shared>> -> memref<128x128xf32, #tpu.memory_space<vmem_shared>>
      %dma_wait3A_50 = arith.constant 0 : i32
      %dma_wait3A_51 = tpu.memref_slice %arg11[%add3A_22, %dma_wait3A_50] : memref<10240x128xf32, #tpu.memory_space<vmem_shared>> -> memref<128x128xf32, #tpu.memory_space<vmem_shared>>
      tpu.wait_dma2 semaphore(%run_scoped3A_44 : memref<!tpu.dma_semaphore, #tpu.memory_space<semaphore_mem>>) src(%arg9 : memref<128x128xf32, #tpu.memory_space<vmem>>) dst(%dma_wait3A_51 : memref<128x128xf32, #tpu.memory_space<vmem_shared>>)
      tpu.yield
    }) : () -> ()
    %mul3A_23 = arith.constant 640 : i32
    %mul3A_24 = arith.muli %arg1, %mul3A_23 : i32
    %add3A_25 = arith.constant 512 : i32
    %add3A_26 = arith.addi %mul3A_24, %add3A_25 : i32
    "tpu.region"() ({
      %run_scoped3A_44 = tpu.sem_alloc : memref<!tpu.dma_semaphore, #tpu.memory_space<semaphore_mem>>
      %dma_start3A_45 = arith.constant 0 : i32
      %dma_start3A_46 = tpu.memref_slice %arg11[%add3A_26, %dma_start3A_45] : memref<10240x128xf32, #tpu.memory_space<vmem_shared>> -> memref<128x128xf32, #tpu.memory_space<vmem_shared>>
      %dma_start3A_47 = arith.constant 0 : i32
      %dma_start3A_48 = tpu.memref_slice %arg11[%add3A_26, %dma_start3A_47] : memref<10240x128xf32, #tpu.memory_space<vmem_shared>> -> memref<128x128xf32, #tpu.memory_space<vmem_shared>>
      tpu.enqueue_dma source(%arg9 : memref<128x128xf32, #tpu.memory_space<vmem>>) target(%dma_start3A_48 : memref<128x128xf32, #tpu.memory_space<vmem_shared>>) target_semaphore(%run_scoped3A_44 : memref<!tpu.dma_semaphore, #tpu.memory_space<semaphore_mem>>)
      %dma_wait3A = arith.constant 0 : i32
      %dma_wait3A_49 = tpu.memref_slice %arg11[%add3A_26, %dma_wait3A] : memref<10240x128xf32, #tpu.memory_space<vmem_shared>> -> memref<128x128xf32, #tpu.memory_space<vmem_shared>>
      %dma_wait3A_50 = arith.constant 0 : i32
      %dma_wait3A_51 = tpu.memref_slice %arg11[%add3A_26, %dma_wait3A_50] : memref<10240x128xf32, #tpu.memory_space<vmem_shared>> -> memref<128x128xf32, #tpu.memory_space<vmem_shared>>
      tpu.wait_dma2 semaphore(%run_scoped3A_44 : memref<!tpu.dma_semaphore, #tpu.memory_space<semaphore_mem>>) src(%arg9 : memref<128x128xf32, #tpu.memory_space<vmem>>) dst(%dma_wait3A_51 : memref<128x128xf32, #tpu.memory_space<vmem_shared>>)
      tpu.yield
    }) : () -> ()
    %mul3A_27 = arith.constant 10240 : i32
    %mul3A_28 = arith.muli %add3A, %mul3A_27 : i32
    "tpu.region"() ({
      %run_scoped3A_44 = tpu.sem_alloc : memref<!tpu.dma_semaphore, #tpu.memory_space<semaphore_mem>>
      %dma_start3A_45 = tpu.memref_slice %arg3[%mul3A_28] : memref<327680xi32, #tpu.memory_space<hbm>> -> memref<10240xi32, #tpu.memory_space<hbm>>
      %dma_start3A_46 = tpu.memref_slice %arg3[%mul3A_28] : memref<327680xi32, #tpu.memory_space<hbm>> -> memref<10240xi32, #tpu.memory_space<hbm>>
      tpu.enqueue_dma source(%dma_start3A_46 : memref<10240xi32, #tpu.memory_space<hbm>>) target(%arg6 : memref<10240xi32, #tpu.memory_space<vmem>>) target_semaphore(%run_scoped3A_44 : memref<!tpu.dma_semaphore, #tpu.memory_space<semaphore_mem>>)
      %dma_wait3A = tpu.memref_slice %arg3[%mul3A_28] : memref<327680xi32, #tpu.memory_space<hbm>> -> memref<10240xi32, #tpu.memory_space<hbm>>
      %dma_wait3A_47 = tpu.memref_slice %arg3[%mul3A_28] : memref<327680xi32, #tpu.memory_space<hbm>> -> memref<10240xi32, #tpu.memory_space<hbm>>
      tpu.wait_dma2 semaphore(%run_scoped3A_44 : memref<!tpu.dma_semaphore, #tpu.memory_space<semaphore_mem>>) src(%dma_wait3A_47 : memref<10240xi32, #tpu.memory_space<hbm>>) dst(%arg6 : memref<10240xi32, #tpu.memory_space<vmem>>)
      tpu.yield
    }) : () -> ()
    %barrier3A = arith.constant 0 : index
    tpu.barrier barrier_id(%barrier3A)
    %mul3A_29 = arith.constant 10240 : i32
    %mul3A_30 = arith.muli %add3A, %mul3A_29 : i32
    %run_scoped3A = arith.constant 0 : i32
    "tpu.region"() ({
      %run_scoped3A_44 = tpu.sem_alloc : memref<!tpu.dma_semaphore, #tpu.memory_space<semaphore_mem>>
      %dma_start3A_45 = arith.constant 0 : i32
      %dma_start3A_46 = tpu.memref_slice %arg7[%run_scoped3A, %dma_start3A_45] : memref<1x128xi32, #tpu.memory_space<vmem>> -> memref<1x128xi32, #tpu.memory_space<vmem>>
      %dma_start3A_47 = tpu.memref_squeeze %dma_start3A_46 : memref<1x128xi32, #tpu.memory_space<vmem>> -> memref<128xi32, #tpu.memory_space<vmem>>
      %dma_start3A_48 = tpu.memref_slice %arg4[%mul3A_30] : memref<327680xi32, #tpu.memory_space<hbm>> -> memref<128xi32, #tpu.memory_space<hbm>>
      %dma_start3A_49 = arith.constant 0 : i32
      %dma_start3A_50 = tpu.memref_slice %arg7[%run_scoped3A, %dma_start3A_49] : memref<1x128xi32, #tpu.memory_space<vmem>> -> memref<1x128xi32, #tpu.memory_space<vmem>>
      %dma_start3A_51 = tpu.memref_squeeze %dma_start3A_50 : memref<1x128xi32, #tpu.memory_space<vmem>> -> memref<128xi32, #tpu.memory_space<vmem>>
      %dma_start3A_52 = tpu.memref_slice %arg4[%mul3A_30] : memref<327680xi32, #tpu.memory_space<hbm>> -> memref<128xi32, #tpu.memory_space<hbm>>
      tpu.enqueue_dma source(%dma_start3A_52 : memref<128xi32, #tpu.memory_space<hbm>>) target(%dma_start3A_51 : memref<128xi32, #tpu.memory_space<vmem>>) target_semaphore(%run_scoped3A_44 : memref<!tpu.dma_semaphore, #tpu.memory_space<semaphore_mem>>)
      %dma_wait3A = arith.constant 0 : i32
      %dma_wait3A_53 = tpu.memref_slice %arg7[%run_scoped3A, %dma_wait3A] : memref<1x128xi32, #tpu.memory_space<vmem>> -> memref<1x128xi32, #tpu.memory_space<vmem>>
      %dma_wait3A_54 = tpu.memref_squeeze %dma_wait3A_53 : memref<1x128xi32, #tpu.memory_space<vmem>> -> memref<128xi32, #tpu.memory_space<vmem>>
      %dma_wait3A_55 = tpu.memref_slice %arg4[%mul3A_30] : memref<327680xi32, #tpu.memory_space<hbm>> -> memref<128xi32, #tpu.memory_space<hbm>>
      %dma_wait3A_56 = arith.constant 0 : i32
      %dma_wait3A_57 = tpu.memref_slice %arg7[%run_scoped3A, %dma_wait3A_56] : memref<1x128xi32, #tpu.memory_space<vmem>> -> memref<1x128xi32, #tpu.memory_space<vmem>>
      %dma_wait3A_58 = tpu.memref_squeeze %dma_wait3A_57 : memref<1x128xi32, #tpu.memory_space<vmem>> -> memref<128xi32, #tpu.memory_space<vmem>>
      %dma_wait3A_59 = tpu.memref_slice %arg4[%mul3A_30] : memref<327680xi32, #tpu.memory_space<hbm>> -> memref<128xi32, #tpu.memory_space<hbm>>
      tpu.wait_dma2 semaphore(%run_scoped3A_44 : memref<!tpu.dma_semaphore, #tpu.memory_space<semaphore_mem>>) src(%dma_wait3A_59 : memref<128xi32, #tpu.memory_space<hbm>>) dst(%dma_wait3A_58 : memref<128xi32, #tpu.memory_space<vmem>>)
      tpu.yield
    }) : () -> ()
    %dma_start3A = arith.constant 0 : i32
    %dma_start3A_31 = tpu.memref_slice %arg6[%dma_start3A] : memref<10240xi32, #tpu.memory_space<vmem>> -> memref<128xi32, #tpu.memory_space<vmem>>
    %dma_start3A_32 = arith.constant 0 : i32
    %dma_start3A_33 = arith.constant 0 : i32
    %dma_start3A_34 = tpu.memref_slice %arg2[%dma_start3A_32, %dma_start3A_33] : memref<10000x128xf32, #tpu.memory_space<hbm>> -> memref<10000x128xf32, #tpu.memory_space<hbm>>
    tpu.enqueue_indirect_dma source(%dma_start3A_34 : memref<10000x128xf32, #tpu.memory_space<hbm>>) target(%arg9 : memref<128x128xf32, #tpu.memory_space<vmem>>) offsets(%dma_start3A_31 : memref<128xi32, #tpu.memory_space<vmem>>) semaphore(%arg12 : memref<!tpu.dma_semaphore, #tpu.memory_space<semaphore_mem>>)
    %scan3A_35 = arith.constant 0 : i32
    %scan3A_36 = arith.constant 0 : i32
    %scan3A_37 = arith.constant 40 : i32
    %scan3A_38 = arith.addi %scan3A_36, %scan3A_37 : i32
    %scan3A_39 = arith.constant 1 : i32
    scf.for %scan3A_44 = %scan3A_36 to %scan3A_38 step %scan3A_39  : i32 {
      %mul3A_45 = arith.constant 2 : i32
      %mul3A_46 = arith.muli %mul3A_45, %scan3A_44 : i32
      %add3A_47 = arith.constant 1 : i32
      %add3A_48 = arith.addi %mul3A_46, %add3A_47 : i32
      %mul3A_49 = arith.constant 128 : i32
      %mul3A_50 = arith.muli %add3A_48, %mul3A_49 : i32
      %dma_start3A_51 = tpu.memref_slice %arg6[%mul3A_50] : memref<10240xi32, #tpu.memory_space<vmem>> -> memref<128xi32, #tpu.memory_space<vmem>>
      %dma_start3A_52 = arith.constant 0 : i32
      %dma_start3A_53 = arith.constant 0 : i32
      %dma_start3A_54 = tpu.memref_slice %arg2[%dma_start3A_52, %dma_start3A_53] : memref<10000x128xf32, #tpu.memory_space<hbm>> -> memref<10000x128xf32, #tpu.memory_space<hbm>>
      tpu.enqueue_indirect_dma source(%dma_start3A_54 : memref<10000x128xf32, #tpu.memory_space<hbm>>) target(%arg10 : memref<128x128xf32, #tpu.memory_space<vmem>>) offsets(%dma_start3A_51 : memref<128xi32, #tpu.memory_space<vmem>>) semaphore(%arg13 : memref<!tpu.dma_semaphore, #tpu.memory_space<semaphore_mem>>)
      %mul3A_55 = arith.constant 128 : i32
      %mul3A_56 = arith.muli %add3A_48, %mul3A_55 : i32
      %add3A_57 = arith.addi %mul3A_30, %mul3A_56 : i32
      %run_scoped3A_58 = arith.constant 0 : i32
      "tpu.region"() ({
        %run_scoped3A_74 = tpu.sem_alloc : memref<!tpu.dma_semaphore, #tpu.memory_space<semaphore_mem>>
        %dma_start3A_75 = arith.constant 0 : i32
        %dma_start3A_76 = tpu.memref_slice %arg8[%run_scoped3A_58, %dma_start3A_75] : memref<1x128xi32, #tpu.memory_space<vmem>> -> memref<1x128xi32, #tpu.memory_space<vmem>>
        %dma_start3A_77 = tpu.memref_squeeze %dma_start3A_76 : memref<1x128xi32, #tpu.memory_space<vmem>> -> memref<128xi32, #tpu.memory_space<vmem>>
        %dma_start3A_78 = tpu.memref_slice %arg4[%add3A_57] : memref<327680xi32, #tpu.memory_space<hbm>> -> memref<128xi32, #tpu.memory_space<hbm>>
        %dma_start3A_79 = arith.constant 0 : i32
        %dma_start3A_80 = tpu.memref_slice %arg8[%run_scoped3A_58, %dma_start3A_79] : memref<1x128xi32, #tpu.memory_space<vmem>> -> memref<1x128xi32, #tpu.memory_space<vmem>>
        %dma_start3A_81 = tpu.memref_squeeze %dma_start3A_80 : memref<1x128xi32, #tpu.memory_space<vmem>> -> memref<128xi32, #tpu.memory_space<vmem>>
        %dma_start3A_82 = tpu.memref_slice %arg4[%add3A_57] : memref<327680xi32, #tpu.memory_space<hbm>> -> memref<128xi32, #tpu.memory_space<hbm>>
        tpu.enqueue_dma source(%dma_start3A_82 : memref<128xi32, #tpu.memory_space<hbm>>) target(%dma_start3A_81 : memref<128xi32, #tpu.memory_space<vmem>>) target_semaphore(%run_scoped3A_74 : memref<!tpu.dma_semaphore, #tpu.memory_space<semaphore_mem>>)
        %dma_wait3A_83 = arith.constant 0 : i32
        %dma_wait3A_84 = tpu.memref_slice %arg8[%run_scoped3A_58, %dma_wait3A_83] : memref<1x128xi32, #tpu.memory_space<vmem>> -> memref<1x128xi32, #tpu.memory_space<vmem>>
        %dma_wait3A_85 = tpu.memref_squeeze %dma_wait3A_84 : memref<1x128xi32, #tpu.memory_space<vmem>> -> memref<128xi32, #tpu.memory_space<vmem>>
        %dma_wait3A_86 = tpu.memref_slice %arg4[%add3A_57] : memref<327680xi32, #tpu.memory_space<hbm>> -> memref<128xi32, #tpu.memory_space<hbm>>
        %dma_wait3A_87 = arith.constant 0 : i32
        %dma_wait3A_88 = tpu.memref_slice %arg8[%run_scoped3A_58, %dma_wait3A_87] : memref<1x128xi32, #tpu.memory_space<vmem>> -> memref<1x128xi32, #tpu.memory_space<vmem>>
        %dma_wait3A_89 = tpu.memref_squeeze %dma_wait3A_88 : memref<1x128xi32, #tpu.memory_space<vmem>> -> memref<128xi32, #tpu.memory_space<vmem>>
        %dma_wait3A_90 = tpu.memref_slice %arg4[%add3A_57] : memref<327680xi32, #tpu.memory_space<hbm>> -> memref<128xi32, #tpu.memory_space<hbm>>
        tpu.wait_dma2 semaphore(%run_scoped3A_74 : memref<!tpu.dma_semaphore, #tpu.memory_space<semaphore_mem>>) src(%dma_wait3A_90 : memref<128xi32, #tpu.memory_space<hbm>>) dst(%dma_wait3A_89 : memref<128xi32, #tpu.memory_space<vmem>>)
        tpu.yield
      }) : () -> ()
      %mul3A_59 = arith.constant 128 : i32
      %mul3A_60 = arith.muli %mul3A_46, %mul3A_59 : i32
      %dma_wait3A = tpu.memref_slice %arg6[%mul3A_60] : memref<10240xi32, #tpu.memory_space<vmem>> -> memref<128xi32, #tpu.memory_space<vmem>>
      %dma_wait3A_61 = arith.constant 0 : i32
      %dma_wait3A_62 = arith.constant 0 : i32
      %dma_wait3A_63 = tpu.memref_slice %arg2[%dma_wait3A_61, %dma_wait3A_62] : memref<10000x128xf32, #tpu.memory_space<hbm>> -> memref<10000x128xf32, #tpu.memory_space<hbm>>
      tpu.wait_indirect_dma semaphore(%arg12 : memref<!tpu.dma_semaphore, #tpu.memory_space<semaphore_mem>>) src(%dma_wait3A_63 : memref<10000x128xf32, #tpu.memory_space<hbm>>) dst(%arg9 : memref<128x128xf32, #tpu.memory_space<vmem>>)
      %run_scoped3A_64 = arith.constant 0 : i32
      "tpu.region"() ({
        %run_scoped3A_74 = tpu.sem_alloc : memref<!tpu.dma_semaphore, #tpu.memory_space<semaphore_mem>>
        %dma_start3A_75 = arith.constant 0 : i32
        %dma_start3A_76 = tpu.memref_slice %arg7[%run_scoped3A_64, %dma_start3A_75] : memref<1x128xi32, #tpu.memory_space<vmem>> -> memref<1x128xi32, #tpu.memory_space<vmem>>
        %dma_start3A_77 = tpu.memref_squeeze %dma_start3A_76 : memref<1x128xi32, #tpu.memory_space<vmem>> -> memref<128xi32, #tpu.memory_space<vmem>>
        %dma_start3A_78 = arith.constant 0 : i32
        %dma_start3A_79 = arith.constant 0 : i32
        %dma_start3A_80 = tpu.memref_slice %arg11[%dma_start3A_78, %dma_start3A_79] : memref<10240x128xf32, #tpu.memory_space<vmem_shared>> -> memref<10240x128xf32, #tpu.memory_space<vmem_shared>>
        tpu.enqueue_indirect_dma source(%arg9 : memref<128x128xf32, #tpu.memory_space<vmem>>) target(%dma_start3A_80 : memref<10240x128xf32, #tpu.memory_space<vmem_shared>>) offsets(%dma_start3A_77 : memref<128xi32, #tpu.memory_space<vmem>>) semaphore(%run_scoped3A_74 : memref<!tpu.dma_semaphore, #tpu.memory_space<semaphore_mem>>) {add = true}
        %dma_wait3A_81 = arith.constant 0 : i32
        %dma_wait3A_82 = tpu.memref_slice %arg7[%run_scoped3A_64, %dma_wait3A_81] : memref<1x128xi32, #tpu.memory_space<vmem>> -> memref<1x128xi32, #tpu.memory_space<vmem>>
        %dma_wait3A_83 = tpu.memref_squeeze %dma_wait3A_82 : memref<1x128xi32, #tpu.memory_space<vmem>> -> memref<128xi32, #tpu.memory_space<vmem>>
        %dma_wait3A_84 = arith.constant 0 : i32
        %dma_wait3A_85 = arith.constant 0 : i32
        %dma_wait3A_86 = tpu.memref_slice %arg11[%dma_wait3A_84, %dma_wait3A_85] : memref<10240x128xf32, #tpu.memory_space<vmem_shared>> -> memref<10240x128xf32, #tpu.memory_space<vmem_shared>>
        tpu.wait_indirect_dma semaphore(%run_scoped3A_74 : memref<!tpu.dma_semaphore, #tpu.memory_space<semaphore_mem>>) src(%arg9 : memref<128x128xf32, #tpu.memory_space<vmem>>) dst(%dma_wait3A_86 : memref<10240x128xf32, #tpu.memory_space<vmem_shared>>)
        tpu.yield
      }) : () -> ()
      %lt3A = arith.constant 39 : i32
      %lt3A_65 = arith.cmpi slt, %scan3A_44, %lt3A : i32
      %convert_element_type3A = arith.extui %lt3A_65 : i1 to i32
      %cond3A = arith.constant 0 : i32
      %cond3A_66 = arith.cmpi ne, %convert_element_type3A, %cond3A : i32
      scf.if %cond3A_66 {
        %add3A_74 = arith.constant 2 : i32
        %add3A_75 = arith.addi %mul3A_46, %add3A_74 : i32
        %mul3A_76 = arith.constant 128 : i32
        %mul3A_77 = arith.muli %add3A_75, %mul3A_76 : i32
        %dma_start3A_78 = tpu.memref_slice %arg6[%mul3A_77] : memref<10240xi32, #tpu.memory_space<vmem>> -> memref<128xi32, #tpu.memory_space<vmem>>
        %dma_start3A_79 = arith.constant 0 : i32
        %dma_start3A_80 = arith.constant 0 : i32
        %dma_start3A_81 = tpu.memref_slice %arg2[%dma_start3A_79, %dma_start3A_80] : memref<10000x128xf32, #tpu.memory_space<hbm>> -> memref<10000x128xf32, #tpu.memory_space<hbm>>
        tpu.enqueue_indirect_dma source(%dma_start3A_81 : memref<10000x128xf32, #tpu.memory_space<hbm>>) target(%arg9 : memref<128x128xf32, #tpu.memory_space<vmem>>) offsets(%dma_start3A_78 : memref<128xi32, #tpu.memory_space<vmem>>) semaphore(%arg12 : memref<!tpu.dma_semaphore, #tpu.memory_space<semaphore_mem>>)
        %add3A_82 = arith.constant 2 : i32
        %add3A_83 = arith.addi %mul3A_46, %add3A_82 : i32
        %mul3A_84 = arith.constant 128 : i32
        %mul3A_85 = arith.muli %add3A_83, %mul3A_84 : i32
        %add3A_86 = arith.addi %mul3A_30, %mul3A_85 : i32
        %run_scoped3A_87 = arith.constant 0 : i32
        "tpu.region"() ({
          %run_scoped3A_88 = tpu.sem_alloc : memref<!tpu.dma_semaphore, #tpu.memory_space<semaphore_mem>>
          %dma_start3A_89 = arith.constant 0 : i32
          %dma_start3A_90 = tpu.memref_slice %arg7[%run_scoped3A_87, %dma_start3A_89] : memref<1x128xi32, #tpu.memory_space<vmem>> -> memref<1x128xi32, #tpu.memory_space<vmem>>
          %dma_start3A_91 = tpu.memref_squeeze %dma_start3A_90 : memref<1x128xi32, #tpu.memory_space<vmem>> -> memref<128xi32, #tpu.memory_space<vmem>>
          %dma_start3A_92 = tpu.memref_slice %arg4[%add3A_86] : memref<327680xi32, #tpu.memory_space<hbm>> -> memref<128xi32, #tpu.memory_space<hbm>>
          %dma_start3A_93 = arith.constant 0 : i32
          %dma_start3A_94 = tpu.memref_slice %arg7[%run_scoped3A_87, %dma_start3A_93] : memref<1x128xi32, #tpu.memory_space<vmem>> -> memref<1x128xi32, #tpu.memory_space<vmem>>
          %dma_start3A_95 = tpu.memref_squeeze %dma_start3A_94 : memref<1x128xi32, #tpu.memory_space<vmem>> -> memref<128xi32, #tpu.memory_space<vmem>>
          %dma_start3A_96 = tpu.memref_slice %arg4[%add3A_86] : memref<327680xi32, #tpu.memory_space<hbm>> -> memref<128xi32, #tpu.memory_space<hbm>>
          tpu.enqueue_dma source(%dma_start3A_96 : memref<128xi32, #tpu.memory_space<hbm>>) target(%dma_start3A_95 : memref<128xi32, #tpu.memory_space<vmem>>) target_semaphore(%run_scoped3A_88 : memref<!tpu.dma_semaphore, #tpu.memory_space<semaphore_mem>>)
          %dma_wait3A_97 = arith.constant 0 : i32
          %dma_wait3A_98 = tpu.memref_slice %arg7[%run_scoped3A_87, %dma_wait3A_97] : memref<1x128xi32, #tpu.memory_space<vmem>> -> memref<1x128xi32, #tpu.memory_space<vmem>>
          %dma_wait3A_99 = tpu.memref_squeeze %dma_wait3A_98 : memref<1x128xi32, #tpu.memory_space<vmem>> -> memref<128xi32, #tpu.memory_space<vmem>>
          %dma_wait3A_100 = tpu.memref_slice %arg4[%add3A_86] : memref<327680xi32, #tpu.memory_space<hbm>> -> memref<128xi32, #tpu.memory_space<hbm>>
          %dma_wait3A_101 = arith.constant 0 : i32
          %dma_wait3A_102 = tpu.memref_slice %arg7[%run_scoped3A_87, %dma_wait3A_101] : memref<1x128xi32, #tpu.memory_space<vmem>> -> memref<1x128xi32, #tpu.memory_space<vmem>>
          %dma_wait3A_103 = tpu.memref_squeeze %dma_wait3A_102 : memref<1x128xi32, #tpu.memory_space<vmem>> -> memref<128xi32, #tpu.memory_space<vmem>>
          %dma_wait3A_104 = tpu.memref_slice %arg4[%add3A_86] : memref<327680xi32, #tpu.memory_space<hbm>> -> memref<128xi32, #tpu.memory_space<hbm>>
          tpu.wait_dma2 semaphore(%run_scoped3A_88 : memref<!tpu.dma_semaphore, #tpu.memory_space<semaphore_mem>>) src(%dma_wait3A_104 : memref<128xi32, #tpu.memory_space<hbm>>) dst(%dma_wait3A_103 : memref<128xi32, #tpu.memory_space<vmem>>)
          tpu.yield
        }) : () -> ()
      } else {
      }
      %mul3A_67 = arith.constant 128 : i32
      %mul3A_68 = arith.muli %add3A_48, %mul3A_67 : i32
      %dma_wait3A_69 = tpu.memref_slice %arg6[%mul3A_68] : memref<10240xi32, #tpu.memory_space<vmem>> -> memref<128xi32, #tpu.memory_space<vmem>>
      %dma_wait3A_70 = arith.constant 0 : i32
      %dma_wait3A_71 = arith.constant 0 : i32
      %dma_wait3A_72 = tpu.memref_slice %arg2[%dma_wait3A_70, %dma_wait3A_71] : memref<10000x128xf32, #tpu.memory_space<hbm>> -> memref<10000x128xf32, #tpu.memory_space<hbm>>
      tpu.wait_indirect_dma semaphore(%arg13 : memref<!tpu.dma_semaphore, #tpu.memory_space<semaphore_mem>>) src(%dma_wait3A_72 : memref<10000x128xf32, #tpu.memory_space<hbm>>) dst(%arg10 : memref<128x128xf32, #tpu.memory_space<vmem>>)
      %run_scoped3A_73 = arith.constant 0 : i32
      "tpu.region"() ({
        %run_scoped3A_74 = tpu.sem_alloc : memref<!tpu.dma_semaphore, #tpu.memory_space<semaphore_mem>>
        %dma_start3A_75 = arith.constant 0 : i32
        %dma_start3A_76 = tpu.memref_slice %arg8[%run_scoped3A_73, %dma_start3A_75] : memref<1x128xi32, #tpu.memory_space<vmem>> -> memref<1x128xi32, #tpu.memory_space<vmem>>
        %dma_start3A_77 = tpu.memref_squeeze %dma_start3A_76 : memref<1x128xi32, #tpu.memory_space<vmem>> -> memref<128xi32, #tpu.memory_space<vmem>>
        %dma_start3A_78 = arith.constant 0 : i32
        %dma_start3A_79 = arith.constant 0 : i32
        %dma_start3A_80 = tpu.memref_slice %arg11[%dma_start3A_78, %dma_start3A_79] : memref<10240x128xf32, #tpu.memory_space<vmem_shared>> -> memref<10240x128xf32, #tpu.memory_space<vmem_shared>>
        tpu.enqueue_indirect_dma source(%arg10 : memref<128x128xf32, #tpu.memory_space<vmem>>) target(%dma_start3A_80 : memref<10240x128xf32, #tpu.memory_space<vmem_shared>>) offsets(%dma_start3A_77 : memref<128xi32, #tpu.memory_space<vmem>>) semaphore(%run_scoped3A_74 : memref<!tpu.dma_semaphore, #tpu.memory_space<semaphore_mem>>) {add = true}
        %dma_wait3A_81 = arith.constant 0 : i32
        %dma_wait3A_82 = tpu.memref_slice %arg8[%run_scoped3A_73, %dma_wait3A_81] : memref<1x128xi32, #tpu.memory_space<vmem>> -> memref<1x128xi32, #tpu.memory_space<vmem>>
        %dma_wait3A_83 = tpu.memref_squeeze %dma_wait3A_82 : memref<1x128xi32, #tpu.memory_space<vmem>> -> memref<128xi32, #tpu.memory_space<vmem>>
        %dma_wait3A_84 = arith.constant 0 : i32
        %dma_wait3A_85 = arith.constant 0 : i32
        %dma_wait3A_86 = tpu.memref_slice %arg11[%dma_wait3A_84, %dma_wait3A_85] : memref<10240x128xf32, #tpu.memory_space<vmem_shared>> -> memref<10240x128xf32, #tpu.memory_space<vmem_shared>>
        tpu.wait_indirect_dma semaphore(%run_scoped3A_74 : memref<!tpu.dma_semaphore, #tpu.memory_space<semaphore_mem>>) src(%arg10 : memref<128x128xf32, #tpu.memory_space<vmem>>) dst(%dma_wait3A_86 : memref<10240x128xf32, #tpu.memory_space<vmem_shared>>)
        tpu.yield
      }) : () -> ()
    }
    %scan3A_40 = arith.constant 40 : i32
    %barrier3A_41 = arith.constant 0 : index
    tpu.barrier barrier_id(%barrier3A_41)
    %mul3A_42 = arith.constant 640 : i32
    %mul3A_43 = arith.muli %arg1, %mul3A_42 : i32
    "tpu.region"() ({
      %run_scoped3A_44 = tpu.sem_alloc : memref<!tpu.dma_semaphore, #tpu.memory_space<semaphore_mem>>
      %dma_start3A_45 = arith.constant 0 : i32
      %dma_start3A_46 = tpu.memref_slice %arg5[%arg0, %mul3A_43, %dma_start3A_45] : memref<2x10240x128xf32, #tpu.memory_space<hbm>> -> memref<1x640x128xf32, #tpu.memory_space<hbm>>
      %dma_start3A_47 = tpu.memref_squeeze %dma_start3A_46 : memref<1x640x128xf32, #tpu.memory_space<hbm>> -> memref<640x128xf32, #tpu.memory_space<hbm>>
      %dma_start3A_48 = arith.constant 0 : i32
      %dma_start3A_49 = tpu.memref_slice %arg11[%mul3A_43, %dma_start3A_48] : memref<10240x128xf32, #tpu.memory_space<vmem_shared>> -> memref<640x128xf32, #tpu.memory_space<vmem_shared>>
      tpu.enqueue_dma source(%dma_start3A_49 : memref<640x128xf32, #tpu.memory_space<vmem_shared>>) target(%dma_start3A_47 : memref<640x128xf32, #tpu.memory_space<hbm>>) target_semaphore(%run_scoped3A_44 : memref<!tpu.dma_semaphore, #tpu.memory_space<semaphore_mem>>)
      %dma_wait3A = arith.constant 0 : i32
      %dma_wait3A_50 = tpu.memref_slice %arg5[%arg0, %mul3A_43, %dma_wait3A] : memref<2x10240x128xf32, #tpu.memory_space<hbm>> -> memref<1x640x128xf32, #tpu.memory_space<hbm>>
      %dma_wait3A_51 = tpu.memref_squeeze %dma_wait3A_50 : memref<1x640x128xf32, #tpu.memory_space<hbm>> -> memref<640x128xf32, #tpu.memory_space<hbm>>
      %dma_wait3A_52 = arith.constant 0 : i32
      %dma_wait3A_53 = tpu.memref_slice %arg11[%mul3A_43, %dma_wait3A_52] : memref<10240x128xf32, #tpu.memory_space<vmem_shared>> -> memref<640x128xf32, #tpu.memory_space<vmem_shared>>
      tpu.wait_dma2 semaphore(%run_scoped3A_44 : memref<!tpu.dma_semaphore, #tpu.memory_space<semaphore_mem>>) src(%dma_wait3A_53 : memref<640x128xf32, #tpu.memory_space<vmem_shared>>) dst(%dma_wait3A_51 : memref<640x128xf32, #tpu.memory_space<hbm>>)
      tpu.yield
    }) : () -> ()
    return
  }
}

module attributes {stable_mosaic.version = 14 : i64} {
  func.func @_stats_body(%arg0: i32, %arg1: memref<400x128xf32, #tpu.memory_space<vmem>>, %arg2: memref<8x128xf32, #tpu.memory_space<vmem>>) attributes {dimension_semantics = [#tpu.dimension_semantics<arbitrary>], iteration_bounds = array<i64: 25>, scalar_prefetch = 0 : i64, scratch_operands = 0 : i64, tpu.core_type = #tpu.core_type<tc>, window_params = [{transform_indices = @transform_0, window_bounds = array<i64: 400, 128>}, {pipeline_mode = #tpu.pipeline_mode<synchronous>, transform_indices = @transform_1, window_bounds = array<i64: 8, 128>}]} {
    %get3A = arith.constant 0 : index
    %get3A_0 = arith.constant 0 : index
    %get3A_1 = vector.load %arg1[%get3A, %get3A_0] : memref<400x128xf32, #tpu.memory_space<vmem>>, vector<400x128xf32>
    %reduce_sum3A = arith.constant dense<0.000000e+00> : vector<128xf32>
    %reduce_sum3A_2 = vector.multi_reduction <add>, %get3A_1, %reduce_sum3A [0] : vector<400x128xf32> to vector<128xf32>
    %broadcast_in_dim3A = vector.shape_cast %reduce_sum3A_2 : vector<128xf32> to vector<1x128xf32>
    %mul3A = arith.mulf %get3A_1, %get3A_1 : vector<400x128xf32>
    %reduce_sum3A_3 = arith.constant dense<0.000000e+00> : vector<128xf32>
    %reduce_sum3A_4 = vector.multi_reduction <add>, %mul3A, %reduce_sum3A_3 [0] : vector<400x128xf32> to vector<128xf32>
    %broadcast_in_dim3A_5 = vector.shape_cast %reduce_sum3A_4 : vector<128xf32> to vector<1x128xf32>
    %broadcast_in_dim3A_6 = arith.constant 0.000000e+00 : f32
    %broadcast_in_dim3A_7 = vector.broadcast %broadcast_in_dim3A_6 : f32 to vector<6x128xf32>
    %concatenate3A = tpu.concatenate %broadcast_in_dim3A, %broadcast_in_dim3A_5, %broadcast_in_dim3A_7 in 0 : vector<1x128xf32>, vector<1x128xf32>, vector<6x128xf32> -> vector<8x128xf32>
    %eq3A = arith.constant 0 : i32
    %eq3A_8 = arith.cmpi eq, %arg0, %eq3A : i32
    %convert_element_type3A = arith.extui %eq3A_8 : i1 to i32
    %cond3A = arith.constant 0 : i32
    %cond3A_9 = arith.cmpi ne, %convert_element_type3A, %cond3A : i32
    scf.if %cond3A_9 {
      %swap3A = arith.constant 0 : index
      %swap3A_14 = arith.constant 0 : index
      %swap3A_15 = vector.load %arg2[%swap3A, %swap3A_14] : memref<8x128xf32, #tpu.memory_space<vmem>>, vector<8x128xf32>
      tpu.vector_store %arg2[%swap3A, %swap3A_14], %concatenate3A {strides = array<i32>} : memref<8x128xf32, #tpu.memory_space<vmem>>, vector<8x128xf32>,
    } else {
    }
    %gt3A = arith.constant 0 : i32
    %gt3A_10 = arith.cmpi sgt, %arg0, %gt3A : i32
    %convert_element_type3A_11 = arith.extui %gt3A_10 : i1 to i32
    %cond3A_12 = arith.constant 0 : i32
    %cond3A_13 = arith.cmpi ne, %convert_element_type3A_11, %cond3A_12 : i32
    scf.if %cond3A_13 {
      %get3A_14 = arith.constant 0 : index
      %get3A_15 = arith.constant 0 : index
      %get3A_16 = vector.load %arg2[%get3A_14, %get3A_15] : memref<8x128xf32, #tpu.memory_space<vmem>>, vector<8x128xf32>
      %add3A = arith.addf %get3A_16, %concatenate3A : vector<8x128xf32>
      %swap3A = arith.constant 0 : index
      %swap3A_17 = arith.constant 0 : index
      %swap3A_18 = vector.load %arg2[%swap3A, %swap3A_17] : memref<8x128xf32, #tpu.memory_space<vmem>>, vector<8x128xf32>
      tpu.vector_store %arg2[%swap3A, %swap3A_17], %add3A {strides = array<i32>} : memref<8x128xf32, #tpu.memory_space<vmem>>, vector<8x128xf32>,
    } else {
    }
    return
  }
  func.func @transform_0(%arg0: i32) -> (i32, i32) {
    %c0_i32 = arith.constant 0 : i32
    %c0_i32_0 = arith.constant 0 : i32
    return %arg0, %c0_i32 : i32, i32
  }
  func.func @transform_1(%arg0: i32) -> (i32, i32) {
    %c0_i32 = arith.constant 0 : i32
    %c0_i32_0 = arith.constant 0 : i32
    %c0_i32_1 = arith.constant 0 : i32
    return %c0_i32, %c0_i32_0 : i32, i32
  }
}

module attributes {stable_mosaic.version = 14 : i64} {
  func.func @_apply_body(%arg0: i32, %arg1: memref<400x128xf32, #tpu.memory_space<vmem>>, %arg2: memref<2x400x128xf32, #tpu.memory_space<vmem>>, %arg3: memref<8x128xf32, #tpu.memory_space<vmem>>, %arg4: memref<400x128xf32, #tpu.memory_space<vmem>>) attributes {dimension_semantics = [#tpu.dimension_semantics<arbitrary>], iteration_bounds = array<i64: 25>, scalar_prefetch = 0 : i64, scratch_operands = 0 : i64, tpu.core_type = #tpu.core_type<tc>, window_params = [{transform_indices = @transform_0, window_bounds = array<i64: 400, 128>}, {transform_indices = @transform_1, window_bounds = array<i64: 2, 400, 128>}, {pipeline_mode = #tpu.pipeline_mode<synchronous>, transform_indices = @transform_2, window_bounds = array<i64: 8, 128>}, {transform_indices = @transform_3, window_bounds = array<i64: 400, 128>}]} {
    %get3A = arith.constant 0 : index
    %get3A_0 = arith.constant 0 : index
    %get3A_1 = arith.constant 0 : index
    %get3A_2 = vector.load %arg2[%get3A, %get3A_0, %get3A_1] : memref<2x400x128xf32, #tpu.memory_space<vmem>>, vector<1x400x1xf32>
    %get3A_3 = vector.shape_cast %get3A_2 : vector<1x400x1xf32> to vector<400x1xf32>
    %get3A_4 = arith.constant 1 : index
    %get3A_5 = arith.constant 0 : index
    %get3A_6 = arith.constant 0 : index
    %get3A_7 = vector.load %arg2[%get3A_4, %get3A_5, %get3A_6] : memref<2x400x128xf32, #tpu.memory_space<vmem>>, vector<1x400x1xf32>
    %get3A_8 = vector.shape_cast %get3A_7 : vector<1x400x1xf32> to vector<400x1xf32>
    %add3A = arith.addf %get3A_3, %get3A_8 : vector<400x1xf32>
    %add3A_9 = arith.constant 1.000000e+00 : f32
    %add3A_10 = vector.broadcast %add3A_9 : f32 to vector<400x1xf32>
    %add3A_11 = arith.addf %add3A, %add3A_10 : vector<400x1xf32>
    %rsqrt3A = math.rsqrt %add3A_11 : vector<400x1xf32>
    %get3A_12 = arith.constant 0 : index
    %get3A_13 = arith.constant 0 : index
    %get3A_14 = vector.load %arg3[%get3A_12, %get3A_13] : memref<8x128xf32, #tpu.memory_space<vmem>>, vector<1x128xf32>
    %get3A_15 = arith.constant 1 : index
    %get3A_16 = arith.constant 0 : index
    %get3A_17 = vector.load %arg3[%get3A_15, %get3A_16] : memref<8x128xf32, #tpu.memory_space<vmem>>, vector<1x128xf32>
    %get3A_18 = arith.constant 0 : index
    %get3A_19 = arith.constant 0 : index
    %get3A_20 = vector.load %arg1[%get3A_18, %get3A_19] : memref<400x128xf32, #tpu.memory_space<vmem>>, vector<400x128xf32>
    %mul3A = vector.broadcast %get3A_14 : vector<1x128xf32> to vector<400x128xf32>
    %mul3A_21 = arith.mulf %mul3A, %get3A_20 : vector<400x128xf32>
    %add3A_22 = vector.broadcast %get3A_17 : vector<1x128xf32> to vector<400x128xf32>
    %add3A_23 = arith.addf %mul3A_21, %add3A_22 : vector<400x128xf32>
    %mul3A_24 = vector.broadcast %rsqrt3A : vector<400x1xf32> to vector<400x128xf32>
    %mul3A_25 = arith.mulf %mul3A_24, %add3A_23 : vector<400x128xf32>
    %swap3A = arith.constant 0 : index
    %swap3A_26 = arith.constant 0 : index
    %swap3A_27 = vector.load %arg4[%swap3A, %swap3A_26] : memref<400x128xf32, #tpu.memory_space<vmem>>, vector<400x128xf32>
    tpu.vector_store %arg4[%swap3A, %swap3A_26], %mul3A_25 {strides = array<i32>} : memref<400x128xf32, #tpu.memory_space<vmem>>, vector<400x128xf32>,
    return
  }
  func.func @transform_0(%arg0: i32) -> (i32, i32) {
    %c0_i32 = arith.constant 0 : i32
    %c0_i32_0 = arith.constant 0 : i32
    return %arg0, %c0_i32 : i32, i32
  }
  func.func @transform_1(%arg0: i32) -> (i32, i32, i32) {
    %c0_i32 = arith.constant 0 : i32
    %c0_i32_0 = arith.constant 0 : i32
    %c0_i32_1 = arith.constant 0 : i32
    return %c0_i32, %arg0, %c0_i32_0 : i32, i32, i32
  }
  func.func @transform_2(%arg0: i32) -> (i32, i32) {
    %c0_i32 = arith.constant 0 : i32
    %c0_i32_0 = arith.constant 0 : i32
    %c0_i32_1 = arith.constant 0 : i32
    return %c0_i32, %c0_i32_0 : i32, i32
  }
  func.func @transform_3(%arg0: i32) -> (i32, i32) {
    %c0_i32 = arith.constant 0 : i32
    %c0_i32_0 = arith.constant 0 : i32
    return %arg0, %c0_i32 : i32, i32
  }
}

module attributes {stable_mosaic.version = 14 : i64} {
  func.func @_layer1_body(%arg0: i32, %arg1: memref<2x400x128xf32, #tpu.memory_space<vmem>>, %arg2: memref<400x128xf32, #tpu.memory_space<vmem>>, %arg3: memref<2x400x128xf32, #tpu.memory_space<vmem>>, %arg4: memref<128x128xbf16, #tpu.memory_space<vmem>>, %arg5: memref<8x128xf32, #tpu.memory_space<vmem>>, %arg6: memref<400x128xf32, #tpu.memory_space<vmem>>) attributes {dimension_semantics = [#tpu.dimension_semantics<arbitrary>], iteration_bounds = array<i64: 25>, scalar_prefetch = 0 : i64, scratch_operands = 0 : i64, tpu.core_type = #tpu.core_type<tc>, window_params = [{transform_indices = @transform_0, window_bounds = array<i64: 2, 400, 128>}, {transform_indices = @transform_1, window_bounds = array<i64: 400, 128>}, {transform_indices = @transform_2, window_bounds = array<i64: 2, 400, 128>}, {pipeline_mode = #tpu.pipeline_mode<synchronous>, transform_indices = @transform_3, window_bounds = array<i64: 128, 128>}, {pipeline_mode = #tpu.pipeline_mode<synchronous>, transform_indices = @transform_4, window_bounds = array<i64: 8, 128>}, {transform_indices = @transform_5, window_bounds = array<i64: 400, 128>}]} {
    %get3A = arith.constant 0 : index
    %get3A_0 = arith.constant 0 : index
    %get3A_1 = arith.constant 0 : index
    %get3A_2 = vector.load %arg3[%get3A, %get3A_0, %get3A_1] : memref<2x400x128xf32, #tpu.memory_space<vmem>>, vector<1x400x1xf32>
    %get3A_3 = vector.shape_cast %get3A_2 : vector<1x400x1xf32> to vector<400x1xf32>
    %get3A_4 = arith.constant 1 : index
    %get3A_5 = arith.constant 0 : index
    %get3A_6 = arith.constant 0 : index
    %get3A_7 = vector.load %arg3[%get3A_4, %get3A_5, %get3A_6] : memref<2x400x128xf32, #tpu.memory_space<vmem>>, vector<1x400x1xf32>
    %get3A_8 = vector.shape_cast %get3A_7 : vector<1x400x1xf32> to vector<400x1xf32>
    %add3A = arith.addf %get3A_3, %get3A_8 : vector<400x1xf32>
    %add3A_9 = arith.constant 1.000000e+00 : f32
    %add3A_10 = vector.broadcast %add3A_9 : f32 to vector<400x1xf32>
    %add3A_11 = arith.addf %add3A, %add3A_10 : vector<400x1xf32>
    %rsqrt3A = math.rsqrt %add3A_11 : vector<400x1xf32>
    %get3A_12 = arith.constant 0 : index
    %get3A_13 = arith.constant 0 : index
    %get3A_14 = arith.constant 0 : index
    %get3A_15 = vector.load %arg1[%get3A_12, %get3A_13, %get3A_14] : memref<2x400x128xf32, #tpu.memory_space<vmem>>, vector<1x400x128xf32>
    %get3A_16 = vector.shape_cast %get3A_15 : vector<1x400x128xf32> to vector<400x128xf32>
    %get3A_17 = arith.constant 1 : index
    %get3A_18 = arith.constant 0 : index
    %get3A_19 = arith.constant 0 : index
    %get3A_20 = vector.load %arg1[%get3A_17, %get3A_18, %get3A_19] : memref<2x400x128xf32, #tpu.memory_space<vmem>>, vector<1x400x128xf32>
    %get3A_21 = vector.shape_cast %get3A_20 : vector<1x400x128xf32> to vector<400x128xf32>
    %add3A_22 = arith.addf %get3A_16, %get3A_21 : vector<400x128xf32>
    %get3A_23 = arith.constant 0 : index
    %get3A_24 = arith.constant 0 : index
    %get3A_25 = vector.load %arg2[%get3A_23, %get3A_24] : memref<400x128xf32, #tpu.memory_space<vmem>>, vector<400x128xf32>
    %add3A_26 = arith.addf %add3A_22, %get3A_25 : vector<400x128xf32>
    %mul3A = vector.broadcast %rsqrt3A : vector<400x1xf32> to vector<400x128xf32>
    %mul3A_27 = arith.mulf %mul3A, %add3A_26 : vector<400x128xf32>
    %convert_element_type3A = arith.truncf %mul3A_27 : vector<400x128xf32> to vector<400x128xbf16>
    %get3A_28 = arith.constant 0 : index
    %get3A_29 = arith.constant 0 : index
    %get3A_30 = vector.load %arg4[%get3A_28, %get3A_29] : memref<128x128xbf16, #tpu.memory_space<vmem>>, vector<128x128xbf16>
    %dot_general3A = arith.constant dense<0.000000e+00> : vector<400x128xf32>
    %dot_general3A_31 = tpu.matmul %convert_element_type3A, %get3A_30, %dot_general3A {dimension_numbers = #tpu.dot_dimension_numbers<[1], [0], [0], [1], [0, 0, 1, 1], [], []>, transpose_lhs_hint = false} : vector<400x128xbf16>, vector<128x128xbf16>, vector<400x128xf32> -> vector<400x128xf32>
    %get3A_32 = arith.constant 0 : index
    %get3A_33 = arith.constant 0 : index
    %get3A_34 = vector.load %arg5[%get3A_32, %get3A_33] : memref<8x128xf32, #tpu.memory_space<vmem>>, vector<1x128xf32>
    %add3A_35 = vector.broadcast %get3A_34 : vector<1x128xf32> to vector<400x128xf32>
    %add3A_36 = arith.addf %dot_general3A_31, %add3A_35 : vector<400x128xf32>
    %max3A = arith.constant 0.000000e+00 : f32
    %max3A_37 = vector.broadcast %max3A : f32 to vector<400x128xf32>
    %max3A_38 = arith.maximumf %add3A_36, %max3A_37 : vector<400x128xf32>
    %mul3A_39 = vector.broadcast %rsqrt3A : vector<400x1xf32> to vector<400x128xf32>
    %mul3A_40 = arith.mulf %mul3A_39, %max3A_38 : vector<400x128xf32>
    %swap3A = arith.constant 0 : index
    %swap3A_41 = arith.constant 0 : index
    %swap3A_42 = vector.load %arg6[%swap3A, %swap3A_41] : memref<400x128xf32, #tpu.memory_space<vmem>>, vector<400x128xf32>
    tpu.vector_store %arg6[%swap3A, %swap3A_41], %mul3A_40 {strides = array<i32>} : memref<400x128xf32, #tpu.memory_space<vmem>>, vector<400x128xf32>,
    return
  }
  func.func @transform_0(%arg0: i32) -> (i32, i32, i32) {
    %c0_i32 = arith.constant 0 : i32
    %c0_i32_0 = arith.constant 0 : i32
    %c0_i32_1 = arith.constant 0 : i32
    return %c0_i32, %arg0, %c0_i32_0 : i32, i32, i32
  }
  func.func @transform_1(%arg0: i32) -> (i32, i32) {
    %c0_i32 = arith.constant 0 : i32
    %c0_i32_0 = arith.constant 0 : i32
    return %arg0, %c0_i32 : i32, i32
  }
  func.func @transform_2(%arg0: i32) -> (i32, i32, i32) {
    %c0_i32 = arith.constant 0 : i32
    %c0_i32_0 = arith.constant 0 : i32
    %c0_i32_1 = arith.constant 0 : i32
    return %c0_i32, %arg0, %c0_i32_0 : i32, i32, i32
  }
  func.func @transform_3(%arg0: i32) -> (i32, i32) {
    %c0_i32 = arith.constant 0 : i32
    %c0_i32_0 = arith.constant 0 : i32
    %c0_i32_1 = arith.constant 0 : i32
    return %c0_i32, %c0_i32_0 : i32, i32
  }
  func.func @transform_4(%arg0: i32) -> (i32, i32) {
    %c0_i32 = arith.constant 0 : i32
    %c0_i32_0 = arith.constant 0 : i32
    %c0_i32_1 = arith.constant 0 : i32
    return %c0_i32, %c0_i32_0 : i32, i32
  }
  func.func @transform_5(%arg0: i32) -> (i32, i32) {
    %c0_i32 = arith.constant 0 : i32
    %c0_i32_0 = arith.constant 0 : i32
    return %arg0, %c0_i32 : i32, i32
  }
}

module attributes {stable_mosaic.version = 14 : i64} {
  func.func @_head_body(%arg0: i32, %arg1: memref<2x400x128xf32, #tpu.memory_space<vmem>>, %arg2: memref<400x128xf32, #tpu.memory_space<vmem>>, %arg3: memref<2x400x128xf32, #tpu.memory_space<vmem>>, %arg4: memref<128x128xbf16, #tpu.memory_space<vmem>>, %arg5: memref<8x128xf32, #tpu.memory_space<vmem>>, %arg6: memref<128x768xbf16, #tpu.memory_space<vmem>>, %arg7: memref<8x768xf32, #tpu.memory_space<vmem>>, %arg8: memref<768x768xbf16, #tpu.memory_space<vmem>>, %arg9: memref<8x768xf32, #tpu.memory_space<vmem>>, %arg10: memref<400x768xf32, #tpu.memory_space<vmem>>) attributes {dimension_semantics = [#tpu.dimension_semantics<arbitrary>], iteration_bounds = array<i64: 25>, scalar_prefetch = 0 : i64, scratch_operands = 0 : i64, tpu.core_type = #tpu.core_type<tc>, window_params = [{transform_indices = @transform_0, window_bounds = array<i64: 2, 400, 128>}, {transform_indices = @transform_1, window_bounds = array<i64: 400, 128>}, {transform_indices = @transform_2, window_bounds = array<i64: 2, 400, 128>}, {pipeline_mode = #tpu.pipeline_mode<synchronous>, transform_indices = @transform_3, window_bounds = array<i64: 128, 128>}, {pipeline_mode = #tpu.pipeline_mode<synchronous>, transform_indices = @transform_4, window_bounds = array<i64: 8, 128>}, {pipeline_mode = #tpu.pipeline_mode<synchronous>, transform_indices = @transform_5, window_bounds = array<i64: 128, 768>}, {pipeline_mode = #tpu.pipeline_mode<synchronous>, transform_indices = @transform_6, window_bounds = array<i64: 8, 768>}, {pipeline_mode = #tpu.pipeline_mode<synchronous>, transform_indices = @transform_7, window_bounds = array<i64: 768, 768>}, {pipeline_mode = #tpu.pipeline_mode<synchronous>, transform_indices = @transform_8, window_bounds = array<i64: 8, 768>}, {transform_indices = @transform_9, window_bounds = array<i64: 400, 768>}]} {
    %get3A = arith.constant 0 : index
    %get3A_0 = arith.constant 0 : index
    %get3A_1 = arith.constant 0 : index
    %get3A_2 = vector.load %arg3[%get3A, %get3A_0, %get3A_1] : memref<2x400x128xf32, #tpu.memory_space<vmem>>, vector<1x400x1xf32>
    %get3A_3 = vector.shape_cast %get3A_2 : vector<1x400x1xf32> to vector<400x1xf32>
    %get3A_4 = arith.constant 1 : index
    %get3A_5 = arith.constant 0 : index
    %get3A_6 = arith.constant 0 : index
    %get3A_7 = vector.load %arg3[%get3A_4, %get3A_5, %get3A_6] : memref<2x400x128xf32, #tpu.memory_space<vmem>>, vector<1x400x1xf32>
    %get3A_8 = vector.shape_cast %get3A_7 : vector<1x400x1xf32> to vector<400x1xf32>
    %add3A = arith.addf %get3A_3, %get3A_8 : vector<400x1xf32>
    %add3A_9 = arith.constant 1.000000e+00 : f32
    %add3A_10 = vector.broadcast %add3A_9 : f32 to vector<400x1xf32>
    %add3A_11 = arith.addf %add3A, %add3A_10 : vector<400x1xf32>
    %rsqrt3A = math.rsqrt %add3A_11 : vector<400x1xf32>
    %get3A_12 = arith.constant 0 : index
    %get3A_13 = arith.constant 0 : index
    %get3A_14 = arith.constant 0 : index
    %get3A_15 = vector.load %arg1[%get3A_12, %get3A_13, %get3A_14] : memref<2x400x128xf32, #tpu.memory_space<vmem>>, vector<1x400x128xf32>
    %get3A_16 = vector.shape_cast %get3A_15 : vector<1x400x128xf32> to vector<400x128xf32>
    %get3A_17 = arith.constant 1 : index
    %get3A_18 = arith.constant 0 : index
    %get3A_19 = arith.constant 0 : index
    %get3A_20 = vector.load %arg1[%get3A_17, %get3A_18, %get3A_19] : memref<2x400x128xf32, #tpu.memory_space<vmem>>, vector<1x400x128xf32>
    %get3A_21 = vector.shape_cast %get3A_20 : vector<1x400x128xf32> to vector<400x128xf32>
    %add3A_22 = arith.addf %get3A_16, %get3A_21 : vector<400x128xf32>
    %get3A_23 = arith.constant 0 : index
    %get3A_24 = arith.constant 0 : index
    %get3A_25 = vector.load %arg2[%get3A_23, %get3A_24] : memref<400x128xf32, #tpu.memory_space<vmem>>, vector<400x128xf32>
    %add3A_26 = arith.addf %add3A_22, %get3A_25 : vector<400x128xf32>
    %mul3A = vector.broadcast %rsqrt3A : vector<400x1xf32> to vector<400x128xf32>
    %mul3A_27 = arith.mulf %mul3A, %add3A_26 : vector<400x128xf32>
    %convert_element_type3A = arith.truncf %mul3A_27 : vector<400x128xf32> to vector<400x128xbf16>
    %get3A_28 = arith.constant 0 : index
    %get3A_29 = arith.constant 0 : index
    %get3A_30 = vector.load %arg4[%get3A_28, %get3A_29] : memref<128x128xbf16, #tpu.memory_space<vmem>>, vector<128x128xbf16>
    %dot_general3A = arith.constant dense<0.000000e+00> : vector<400x128xf32>
    %dot_general3A_31 = tpu.matmul %convert_element_type3A, %get3A_30, %dot_general3A {dimension_numbers = #tpu.dot_dimension_numbers<[1], [0], [0], [1], [0, 0, 1, 1], [], []>, transpose_lhs_hint = false} : vector<400x128xbf16>, vector<128x128xbf16>, vector<400x128xf32> -> vector<400x128xf32>
    %get3A_32 = arith.constant 0 : index
    %get3A_33 = arith.constant 0 : index
    %get3A_34 = vector.load %arg5[%get3A_32, %get3A_33] : memref<8x128xf32, #tpu.memory_space<vmem>>, vector<1x128xf32>
    %add3A_35 = vector.broadcast %get3A_34 : vector<1x128xf32> to vector<400x128xf32>
    %add3A_36 = arith.addf %dot_general3A_31, %add3A_35 : vector<400x128xf32>
    %max3A = arith.constant 0.000000e+00 : f32
    %max3A_37 = vector.broadcast %max3A : f32 to vector<400x128xf32>
    %max3A_38 = arith.maximumf %add3A_36, %max3A_37 : vector<400x128xf32>
    %convert_element_type3A_39 = arith.truncf %max3A_38 : vector<400x128xf32> to vector<400x128xbf16>
    %get3A_40 = arith.constant 0 : index
    %get3A_41 = arith.constant 0 : index
    %get3A_42 = vector.load %arg6[%get3A_40, %get3A_41] : memref<128x768xbf16, #tpu.memory_space<vmem>>, vector<128x768xbf16>
    %dot_general3A_43 = arith.constant dense<0.000000e+00> : vector<400x768xf32>
    %dot_general3A_44 = tpu.matmul %convert_element_type3A_39, %get3A_42, %dot_general3A_43 {dimension_numbers = #tpu.dot_dimension_numbers<[1], [0], [0], [1], [0, 0, 1, 1], [], []>, transpose_lhs_hint = false} : vector<400x128xbf16>, vector<128x768xbf16>, vector<400x768xf32> -> vector<400x768xf32>
    %get3A_45 = arith.constant 0 : index
    %get3A_46 = arith.constant 0 : index
    %get3A_47 = vector.load %arg7[%get3A_45, %get3A_46] : memref<8x768xf32, #tpu.memory_space<vmem>>, vector<1x768xf32>
    %add3A_48 = vector.broadcast %get3A_47 : vector<1x768xf32> to vector<400x768xf32>
    %add3A_49 = arith.addf %dot_general3A_44, %add3A_48 : vector<400x768xf32>
    %mul3A_50 = arith.constant 5.000000e-01 : f32
    %mul3A_51 = vector.broadcast %mul3A_50 : f32 to vector<400x768xf32>
    %mul3A_52 = arith.mulf %mul3A_51, %add3A_49 : vector<400x768xf32>
    %mul3A_53 = arith.constant 0.707106769 : f32
    %mul3A_54 = vector.broadcast %mul3A_53 : f32 to vector<400x768xf32>
    %mul3A_55 = arith.mulf %add3A_49, %mul3A_54 : vector<400x768xf32>
    %erf3A = math.erf %mul3A_55 : vector<400x768xf32>
    %add3A_56 = arith.constant 1.000000e+00 : f32
    %add3A_57 = vector.broadcast %add3A_56 : f32 to vector<400x768xf32>
    %add3A_58 = arith.addf %add3A_57, %erf3A : vector<400x768xf32>
    %mul3A_59 = arith.mulf %mul3A_52, %add3A_58 : vector<400x768xf32>
    %convert_element_type3A_60 = arith.truncf %mul3A_59 : vector<400x768xf32> to vector<400x768xbf16>
    %get3A_61 = arith.constant 0 : index
    %get3A_62 = arith.constant 0 : index
    %get3A_63 = vector.load %arg8[%get3A_61, %get3A_62] : memref<768x768xbf16, #tpu.memory_space<vmem>>, vector<768x768xbf16>
    %dot_general3A_64 = arith.constant dense<0.000000e+00> : vector<400x768xf32>
    %dot_general3A_65 = tpu.matmul %convert_element_type3A_60, %get3A_63, %dot_general3A_64 {dimension_numbers = #tpu.dot_dimension_numbers<[1], [0], [0], [1], [0, 0, 1, 1], [], []>, transpose_lhs_hint = false} : vector<400x768xbf16>, vector<768x768xbf16>, vector<400x768xf32> -> vector<400x768xf32>
    %get3A_66 = arith.constant 0 : index
    %get3A_67 = arith.constant 0 : index
    %get3A_68 = vector.load %arg9[%get3A_66, %get3A_67] : memref<8x768xf32, #tpu.memory_space<vmem>>, vector<1x768xf32>
    %add3A_69 = vector.broadcast %get3A_68 : vector<1x768xf32> to vector<400x768xf32>
    %add3A_70 = arith.addf %dot_general3A_65, %add3A_69 : vector<400x768xf32>
    %swap3A = arith.constant 0 : index
    %swap3A_71 = arith.constant 0 : index
    %swap3A_72 = vector.load %arg10[%swap3A, %swap3A_71] : memref<400x768xf32, #tpu.memory_space<vmem>>, vector<400x768xf32>
    tpu.vector_store %arg10[%swap3A, %swap3A_71], %add3A_70 {strides = array<i32>} : memref<400x768xf32, #tpu.memory_space<vmem>>, vector<400x768xf32>,
    return
  }
  func.func @transform_0(%arg0: i32) -> (i32, i32, i32) {
    %c0_i32 = arith.constant 0 : i32
    %c0_i32_0 = arith.constant 0 : i32
    %c0_i32_1 = arith.constant 0 : i32
    return %c0_i32, %arg0, %c0_i32_0 : i32, i32, i32
  }
  func.func @transform_1(%arg0: i32) -> (i32, i32) {
    %c0_i32 = arith.constant 0 : i32
    %c0_i32_0 = arith.constant 0 : i32
    return %arg0, %c0_i32 : i32, i32
  }
  func.func @transform_2(%arg0: i32) -> (i32, i32, i32) {
    %c0_i32 = arith.constant 0 : i32
    %c0_i32_0 = arith.constant 0 : i32
    %c0_i32_1 = arith.constant 0 : i32
    return %c0_i32, %arg0, %c0_i32_0 : i32, i32, i32
  }
  func.func @transform_3(%arg0: i32) -> (i32, i32) {
    %c0_i32 = arith.constant 0 : i32
    %c0_i32_0 = arith.constant 0 : i32
    %c0_i32_1 = arith.constant 0 : i32
    return %c0_i32, %c0_i32_0 : i32, i32
  }
  func.func @transform_4(%arg0: i32) -> (i32, i32) {
    %c0_i32 = arith.constant 0 : i32
    %c0_i32_0 = arith.constant 0 : i32
    %c0_i32_1 = arith.constant 0 : i32
    return %c0_i32, %c0_i32_0 : i32, i32
  }
  func.func @transform_5(%arg0: i32) -> (i32, i32) {
    %c0_i32 = arith.constant 0 : i32
    %c0_i32_0 = arith.constant 0 : i32
    %c0_i32_1 = arith.constant 0 : i32
    return %c0_i32, %c0_i32_0 : i32, i32
  }
  func.func @transform_6(%arg0: i32) -> (i32, i32) {
    %c0_i32 = arith.constant 0 : i32
    %c0_i32_0 = arith.constant 0 : i32
    %c0_i32_1 = arith.constant 0 : i32
    return %c0_i32, %c0_i32_0 : i32, i32
  }
  func.func @transform_7(%arg0: i32) -> (i32, i32) {
    %c0_i32 = arith.constant 0 : i32
    %c0_i32_0 = arith.constant 0 : i32
    %c0_i32_1 = arith.constant 0 : i32
    return %c0_i32, %c0_i32_0 : i32, i32
  }
  func.func @transform_8(%arg0: i32) -> (i32, i32) {
    %c0_i32 = arith.constant 0 : i32
    %c0_i32_0 = arith.constant 0 : i32
    %c0_i32_1 = arith.constant 0 : i32
    return %c0_i32, %c0_i32_0 : i32, i32
  }
  func.func @transform_9(%arg0: i32) -> (i32, i32) {
    %c0_i32 = arith.constant 0 : i32
    %c0_i32_0 = arith.constant 0 : i32
    return %arg0, %c0_i32 : i32, i32
  }
}

</mosaic_0001>

<sc_bundles>
// kernel: kernel.12.cloned.1.call-start
scs
__scs_entry_jumppad:
0x0: {  	(pc) =	sbr.rel $0x88, $3  }
0x1: {  	(tag) =	ssettag $0x0;
	lr =	simm.s32 $0x1  }
0x2: {  	[smem:$0x3F94] =	sst lr;
	_ =	strace $0xD0000000  }
0x3: {  	_ = 	snop  }
0x4: {  	_ = 	snop  }
0x5: {  	_ = 	snop  }
0x6: {  	_ = 	snop  }
0x7: {  	_ = 	snop  }
__scs_overlays_trampoline_lowered:
0x8: {  	[smem:$0x3FA3] =	sst s0  }
0x9: {  	[smem:$0x3FA4] =	sst s1  }
0xa: {  	[smem:$0x3FA5] =	sst s2  }
0xb: {  	[smem:$0x3FA6] =	sst s3  }
0xc: {  	[smem:$0x3FA7] =	sst s4  }
0xd: {  	[smem:$0x3FA8] =	sst s5  }
0xe: {  	[smem:$0x3FA9] =	sst s6  }
0xf: {  	[smem:$0x3FAA] =	sst s7  }
0x10: {  	[smem:$0x3FAB] =	sst s8  }
0x11: {  	[smem:$0x3FAC] =	sst s9;
	s0 =	simm.s32 @!p0 $0x0  }
0x12: {  	s1 =	sld [smem:$0x3F92];
	s0 =	simm.s32 @p0 $0x1  }
0x13: {  	[smem:$0x3FAD] =	sst s0;
	s0 =	simm.s32 @!p1 $0x0  }
0x14: {  	s2 =	sld [smem:$0x3F91];
	s0 =	simm.s32 @p1 $0x1  }
0x15: {  	[smem:$0x3FAE] =	sst s0;
	s0 =	simm.s32 @!p2 $0x0  }
0x16: {  	s3 =	sld [smem:$0x3FDB];
	s0 =	simm.s32 @p2 $0x1  }
0x17: {  	s4 =	simm.s32 $0x1BF5;
	[smem:$0x3FB0] =	sst s0  }
0x18: {  	s0 =	sld [smem:$0x3F93];
	_ =	swait.ge [sflag:s4], $0x0  }
0x19: {  	s7 =	sld [smem:$0x3F94]  }
0x1a: {  	s8 =	sadd.s32 $0xFFFFE003, lr  }
0x1b: {  	s9 =	sadd.s32 $0xFFFFFEF7, lr;
	s5 =	simm.s32 $0xFFFFFFFF;
	p2 =	slt.u32 s8, $0xFFFFF086  }
0x1c: {  	p1 =	slt.u32 s9, $0xF7A;
	s5 =	simm.s32 @!p2 $0x0  }
0x1d: {  	s5 =	simm.s32 @p1 $0x1;
	p0 =	seq.s32 s7, s2  }
0x1e: {  	s7 =	smul.u32 @!p0 $0xF7A, s2;
	p2 =	seq.s32 @!p0 s5, $0x0  }
0x1f: {  	s9 =	smul.u32 $0xF7A, s1;
	s8 =	simm.s32 @!p0 $0x1BF5;
	p2 =	por !p2, p0  }
0x20: {  	[sflag:s8] =	ssyncset.s32 @!p0 $0xFFFFF086;
	s6 =	sadd.s32 @!p0 s3, s7;
	s7 =	simm.s32 @!p0 $0x108  }
0x21: {  	s3 =	sadd.s32 s3, s9;
	s6 =	sadd.s32 @!p0 $0x88, s6;
	s7 =	simm.s32 @p2 $0x1082  }
0x22: {  	[simem:s7], [sflag:s8] =	dma.local @!p0 [hbm:s6], $0xF7A  }
0x23: {  	s9 =	sor.u32 $0xD0000000, s2;
	s6 =	simm.s32 $0x108;
	_ =	swait.ge @!p0 [sflag:s8], $0x0  }
0x24: {  	s3 =	sadd.s32 $0x88, s3;
	s6 =	simm.s32 @!p1 $0x1082;
	[sflag:s4] =	ssyncset.s32 $0xFFFFF086  }
0x25: {  	[simem:s6], [sflag:s4] =	dma.local [hbm:s3], $0xF7A  }
0x26: {  	[smem:$0x3F94] =	sst s1;
	(tag) =	ssettag s2;
	_ =	strace s9  }
0x27: {  	s1 =	sld [smem:$0x3FA4]  }
0x28: {  	s2 =	sld [smem:$0x3FA5]  }
0x29: {  	s4 =	sld [smem:$0x3FA7]  }
0x2a: {  	p0 =	seq.s32 s5, $0x0;
	s5 =	sld [smem:$0x3FA8]  }
0x2b: {  	s6 =	sld [smem:$0x3FA9]  }
0x2c: {  	s7 =	sld [smem:$0x3FAA]  }
0x2d: {  	s3 =	simm.s32 $0x108;
	s8 =	sld [smem:$0x3FAB]  }
0x2e: {  	s3 =	simm.s32 @!p0 $0x1082;
	s9 =	sld [smem:$0x3FAC]  }
0x2f: {  	lr =	sadd.s32 s0, s3;
	s0 =	sld [smem:$0x3FA3]  }
0x30: {  	s3 =	sld [smem:$0x3FA6]  }
0x31: {  	[smem:$0x3FAF] =	sst s10  }
0x32: {  	s10 =	sld [smem:$0x3FAD];
	_ =	sdelay $0x3  }
0x33: {  	p0 =	seq.s32 s10, $0x1;
	s10 =	sld [smem:$0x3FAF];
	_ =	sdelay $0x3  }
0x34: {  	[smem:$0x3FAF] =	sst s10  }
0x35: {  	s10 =	sld [smem:$0x3FAE];
	_ =	sdelay $0x3  }
0x36: {  	p1 =	seq.s32 s10, $0x1;
	s10 =	sld [smem:$0x3FAF];
	_ =	sdelay $0x3  }
0x37: {  	[smem:$0x3FAF] =	sst s10  }
0x38: {  	s10 =	sld [smem:$0x3FB0]  }
0x39: {  	_ = 	snop;
	(pc) =	sbr.ind lr, $3  }
0x3a: {  	_ = 	snop  }
0x3b: {  	_ = 	snop  }
0x3c: {  	p2 =	seq.s32 s10, $0x1;
	s10 =	sld [smem:$0x3FAF]  }
0x3d: {  	_ =	shalt  }
0x3e: {  	_ =	shalt  }
0x3f: {  	_ =	shalt  }
0x40: {  	_ =	shalt  }
0x41: {  	_ =	shalt  }
0x42: {  	_ =	shalt  }
0x43: {  	_ =	shalt  }
0x44: {  	_ =	shalt  }
0x45: {  	_ =	shalt  }
0x46: {  	_ =	shalt  }
0x47: {  	_ =	shalt  }
0x48: {  	_ =	shalt  }
0x49: {  	_ =	shalt  }
0x4a: {  	_ =	shalt  }
0x4b: {  	_ =	shalt  }
0x4c: {  	_ =	shalt  }
0x4d: {  	_ =	shalt  }
0x4e: {  	_ =	shalt  }
0x4f: {  	_ =	shalt  }
0x50: {  	_ =	shalt  }
0x51: {  	_ =	shalt  }
0x52: {  	_ =	shalt  }
0x53: {  	_ =	shalt  }
0x54: {  	_ =	shalt  }
0x55: {  	_ =	shalt  }
0x56: {  	_ =	shalt  }
0x57: {  	_ =	shalt  }
0x58: {  	_ =	shalt  }
0x59: {  	_ =	shalt  }
0x5a: {  	_ =	shalt  }
0x5b: {  	_ =	shalt  }
0x5c: {  	_ =	shalt  }
0x5d: {  	_ =	shalt  }
0x5e: {  	_ =	shalt  }
0x5f: {  	_ =	shalt  }
0x60: {  	_ =	shalt  }
0x61: {  	_ =	shalt  }
0x62: {  	_ =	shalt  }
0x63: {  	_ =	shalt  }
0x64: {  	_ =	shalt  }
0x65: {  	_ =	shalt  }
0x66: {  	_ =	shalt  }
0x67: {  	_ =	shalt  }
0x68: {  	_ =	shalt  }
0x69: {  	_ =	shalt  }
0x6a: {  	_ =	shalt  }
0x6b: {  	_ =	shalt  }
0x6c: {  	_ =	shalt  }
0x6d: {  	_ =	shalt  }
0x6e: {  	_ =	shalt  }
0x6f: {  	_ =	shalt  }
0x70: {  	_ =	shalt  }
0x71: {  	_ =	shalt  }
0x72: {  	_ =	shalt  }
0x73: {  	_ =	shalt  }
0x74: {  	_ =	shalt  }
0x75: {  	_ =	shalt  }
0x76: {  	_ =	shalt  }
0x77: {  	_ =	shalt  }
0x78: {  	_ =	shalt  }
0x79: {  	_ =	shalt  }
0x7a: {  	_ =	shalt  }
0x7b: {  	_ =	shalt  }
0x7c: {  	_ =	shalt  }
0x7d: {  	_ =	shalt  }
0x7e: {  	_ =	shalt  }
0x7f: {  	_ =	shalt  }
0x80: {  	_ =	shalt  }
0x81: {  	_ =	shalt  }
0x82: {  	_ =	shalt  }
0x83: {  	_ =	shalt  }
0x84: {  	_ =	shalt  }
0x85: {  	_ =	shalt  }
0x86: {  	_ =	shalt  }
0x87: {  	_ =	shalt  }
.Lfunc_end0:
.L_simem_size_0:
called_computation.1_lowered:
.L_overlay_start_0:
0x88: {  	s2 =	sld [smem:$0x3FD9]  }
0x89: {  	s3 =	sld [smem:$0x3FFE];
	_ =	sdelay $0x1  }
0x8a: {  	s1 =	srdreg.scid  }
0x8b: {  	s0 =	sand.u32 $0x1, s1  }
0x8c: {  	s17 =	sshll.u32 s0, $0xA;
	s2 =	sadd.s32 s3, s2  }
0x8d: {  	s2 =	sadd.s32 s2, s17  }
0x8e: {  	[smem:$0x3FBB] =	sst s2  }
0x8f: {  	_ = 	snop  }
0x90: {  	s2 =	sld [smem:$0x3FD0];
	(tm) =	ssettm $0x1  }
0x91: {  	s18 =	sld [smem:$0x3FFB];
	_ =	sdelay $0x3  }
0x92: {  	_ =	strace s18  }
0x93: {  	s3 =	sld [smem:$0x3FFC];
	_ =	sdelay $0x3  }
0x94: {  	_ =	strace s3  }
0x95: {  	s3 =	sld [smem:$0x3FFD];
	_ =	sdelay $0x3  }
0x96: {  	_ =	strace s3  }
0x97: {  	_ =	strace $0x8FFFFFFF  }
0x98: {  	s19 =	sld [smem:$0x3FDB];
	_ =	sdelay $0x1  }
0x99: {  	s4 =	simm.s32 $_scs_section_size  }
0x9a: {  	s5 =	simm.s32 $_size__tile_overlayer_lowered;
	s6 =	simm.s32 $_tile_overlayer_lowered  }
0x9b: {  	s22 =	simm.s32 $0x1BFF;
	s21 =	sshll.u32 s6, $0x1;
	s3 =	sadd.s32 s4, s19  }
0x9c: {  	s7 =	simm.s32 $0x0;
	s20 =	sshll.u32 s5, $0x1;
	s5 =	sadd.s32 s21, s3  }
0x9d: {  	[timem:s7], [sflag:s22] =	dma.local [hbm:s5], s20  }
0x9e: {  	_ =	swait.ge [sflag:s22], s20  }
0x9f: {  	s4 =	ssub.s32 $0x0, s20;
	[sflag:s22] =	ssyncset.done $0x0  }
0xa0: {  	[sflag:s22] =	ssyncadd.s32 s4;
	_ =	sdelay $0x1  }
0xa1: {  	s23 =	simm.s32 $0x1B8B  }
0xa2: {  	_ =	swait.ge [sflag:s23], $0x1  }
0xa3: {  	[sflag:s23] =	ssyncset.done $0x0  }
0xa4: {  	s25 =	simm.s32 $0x1B8E;
	s24 =	sld [smem:$0x3FFE];
	[sflag:s23] =	ssyncadd.s32 $0xFFFFFFFF  }
0xa5: {  	s26 =	simm.s32 $execute0_lowered;
	[smem:$0x3FD2] =	sst s25  }
0xa6: {  	s5 =	sshll.u32 s26, $0x1;
	_ =	strace $0x80000049;
	[dreg:$0x1] =	wrdreg $0xFFFFFFFF  }
0xa7: {  	s28 =	simm.s32 $_size_execute0_lowered;
	s3 =	sadd.s32 s3, s5;
	[dreg:$0x0] =	wrdreg $0x0  }
0xa8: {  	s5 =	sshll.u32 s28, $0x1;
	[dreg:$0x2] =	wrdreg s3  }
0xa9: {  	[dreg:$0x3] =	wrdreg s5  }
0xaa: {  	[dreg:$0x4] =	wrdreg $0xC0  }
0xab: {  	_ =	task [dreg:s7], $0x5FFFF  }
0xac: {  	[dreg:$0x1] =	wrdreg $0xFFFFFFFF  }
0xad: {  	[dreg:$0x0] =	wrdreg $0x60  }
0xae: {  	[dreg:$0x2] =	wrdreg s24  }
0xaf: {  	[dreg:$0x3] =	wrdreg s2  }
0xb0: {  	[dreg:$0x4] =	wrdreg $0xA9000  }
0xb1: {  	[dreg:$0x5] =	wrdreg $0x9  }
0xb2: {  	_ =	task.clear_ibuf [dreg:s7], $0x6FFFF;
	_ =	strace $0x90000049  }
0xb3: {  	s29 =	simm.s32 $0x9;
	_ =	strace $0x8000004B  }
0xb4: {  	_ =	swait.ge [sflag:s29], $0x1  }
0xb5: {  	[sflag:s29] =	ssyncadd.s32 $0xFFFFFFFF  }
0xb6: {  	_ =	strace $0x9000004B  }
0xb7: {  	_ =	sfence  }
0xb8: {  	s30 =	sld [smem:$0x0];
	_ =	sdelay $0x2  }
0xb9: {  	s31 =	sshll.u32 s1, $0xD;
	s1 =	sshrl.u32 s1, $0x2  }
0xba: {  	s3 =	sand.u32 $0x4000, s31;
	s1 =	sadd.s32 s1, s30  }
0xbb: {  	s0 =	sor.u32 s3, s0;
	s1 =	sshll.u32 s1, $0x11  }
0xbc: {  	s0 =	sor.u32 s1, s0  }
0xbd: {  	s0 =	sadd.s32 $0x8F2B, s0  }
0xbe: {  	[sflag:s0] =	ssyncadd.remote.s32 $0x1  }
0xbf: {  	_ =	sfence.sel $0xFFFF  }
0xc0: {  	[dreg:$0x0] =	wrdreg $0xFFFFFFFF;
	(pc) =	sbr.abs _section_cstart, $3  }
0xc1: {  	[dreg:$0x1] =	wrdreg $0xFFFFFFFF  }
0xc2: {  	_ =	task.clear_ibuf [dreg:s7], $0x2FFFF;
	_ =	strace $0x9FFFFFFF  }
0xc3: {  	(tm) =	ssettm $0x7FFFFFFF  }
tec
execute0_lowered:
.L_overlay_start_1:
0x0: {  	(tag) =	ssettag $0x1  }
0x1: {  	s5 =	rddreg [dreg:$0x0]  }
0x2: {  	s12 =	rddreg [dreg:$0x1]  }
0x3: {  	s0 =	srdreg.scid;
	s2 =	rddreg [dreg:$0x2]  }
0x4: {  	s1 =	stileid.u32;
	s3 =	simm.s32 $0x0;
	s18 =	simm.s32 $0x3  }
0x5: {  	s19 =	simm.s32 $0x2800;
	s20 =	simm.s32 $0x80;
	s21 =	simm.s32 $0x6900  }
0x6: {  	s22 =	simm.s32 $0x2880;
	s23 =	simm.s32 $0x1;
	s24 =	simm.s32 $0x2  }
0x7: {  	s25 =	simm.s32 $0x2780;
	s26 =	simm.s32 $0x0;
	s29 =	smul.u32 $0x50000, s1  }
0x8: {  	s8 =	sand.u32 $0x1, s0;
	s0 =	rddreg [dreg:$0x3];
	s14 =	smul.u32 $0x14000, s1  }
0x9: {  	[smem:$0x7FF] =	sst s3;
	s16 =	sadd.s32 $0x3A00, s5;
	s17 =	smul.u32 $0x2800, s1  }
0xa: {  	s4 =	sshll.u32 s8, $0x4;
	_ =	strace $0x8000004A;
	s9 =	smul.u32 $0x140000, s8  }
0xb: {  	s30 =	ssub.s32 $0x2, s8;
	s15 =	smul.u32 $0x28000, s8;
	s4 =	sor.u32 s1, s4  }
0xc: {  	s7 =	sshrl.u32 s30, $0x1;
	s6 =	smul.u32 $0x2800, s4;
	s4 =	sadd.s32 $0x67A00, s5  }
0xd: {  	s13 =	ssub.s32 s30, s7;
	s14 =	sadd.s32 s14, s9;
	s31 =	sadd.s32 s17, s15  }
0xe: {  	s14 =	sshrl.u32 s14, $0x3;
	s13 =	smax.u32 s13, $0x1;
	s15 =	sor.u32 $0x80, s31  }
0xf: {  	s17 =	sor.u32 $0x100, s31;
	s11 =	sshrl.u32 s6, $0x3;
	s6 =	sshrl.u32 s29, $0x2  }
0x10: {  	s12 =	sadd.s32 s12, s14;
	s15 =	sshrl.u32 s15, $0x3;
	s17 =	sshrl.u32 s17, $0x3  }
0x11: {  	s10 =	sadd.s32 s11, s5;
	s5 =	sadd.s32 s6, s2;
	s11 =	sadd.s32 s16, s11  }
0x12: {  	s15 =	sadd.s32 s15, s16;
	s16 =	sadd.s32 s17, s16;
	s17 =	simm.s32 $0x2900  }
0x13: {  	s6 =	sadd.s32 $0x4000, s5;
	s7 =	sadd.s32 $0x8000, s5;
	s8 =	sadd.s32 $0xC000, s5  }
0x14: {  	v0 =	vimm.f32 $0.0e+00;
	s9 =	sadd.s32 $0x10000, s5;
	s10 =	sadd.s32 $0xDA00, s10;
	s14 =	sadd.s32 $0x4F0, s11  }
.LBB2_1:
0x15: {  	s28 =	simm.s32 $0x0;
	s29 =	simm.s32 $0x200  }
.LBB2_2:
0x16: {  	p0 =	sne.s32 s29, $0xFE00;
	[tilespmem:s28+$0x2970] =	vst v0  }
0x17: {  	[tilespmem:s28+$0x2900] =	vst v0  }
0x18: {  	[tilespmem:s28+$0x2910] =	vst v0  }
.Ltmp0:
0x19: {  	[tilespmem:s28+$0x2920] =	vst v0;
	(pc) =	sbr.rel @p0 .LBB2_2-.Ltmp0, $4  }
0x1a: {  	[tilespmem:s28+$0x2930] =	vst v0  }
0x1b: {  	[tilespmem:s28+$0x2940] =	vst v0  }
0x1c: {  	[tilespmem:s28+$0x2950] =	vst v0  }
0x1d: {  	[tilespmem:s28+$0x2960] =	vst v0;
	s28 =	sshra.s32 s29, $0x2;
	s29 =	sadd.s32 $0x200, s29  }
0x1e: {  	[tilespmem:s28+$0x2970] =	vst v0  }
0x1f: {  	[tilespmem:s28+$0x2900] =	vst v0  }
0x20: {  	[tilespmem:s28+$0x2910] =	vst v0  }
0x21: {  	[tilespmem:s28+$0x2920] =	vst v0  }
0x22: {  	[tilespmem:s28+$0x2930] =	vst v0  }
0x23: {  	[tilespmem:s28+$0x2940] =	vst v0  }
0x24: {  	[tilespmem:s28+$0x2950] =	vst v0  }
0x25: {  	[tilespmem:s28+$0x2960] =	vst v0  }
0x26: {  	[spmem:s5] =	stream.linear.scatter [tilespmem:s17], [sflag:$0x3], $0x4000, $0x38;
	[tilespmem:$0x1E900] =	vst v63  }
0x27: {  	_ =	swait.ge [sflag:s18], $0x4000  }
0x28: {  	[sflag:s18] =	ssyncset.done $0x0  }
0x29: {  	[sflag:s18] =	ssyncadd.s32 $0xFFFFC000  }
0x2a: {  	[spmem:s6] =	stream.linear.scatter [tilespmem:s17], [sflag:$0x3], $0x4000, $0x38;
	[tilespmem:$0x1E900] =	vst v63  }
0x2b: {  	_ =	swait.ge [sflag:s18], $0x4000  }
0x2c: {  	[sflag:s18] =	ssyncset.done $0x0  }
0x2d: {  	[sflag:s18] =	ssyncadd.s32 $0xFFFFC000  }
0x2e: {  	[spmem:s7] =	stream.linear.scatter [tilespmem:s17], [sflag:$0x3], $0x4000, $0x38;
	[tilespmem:$0x1E900] =	vst v63  }
0x2f: {  	_ =	swait.ge [sflag:s18], $0x4000  }
0x30: {  	[sflag:s18] =	ssyncset.done $0x0  }
0x31: {  	[sflag:s18] =	ssyncadd.s32 $0xFFFFC000  }
0x32: {  	[spmem:s8] =	stream.linear.scatter [tilespmem:s17], [sflag:$0x3], $0x4000, $0x38;
	[tilespmem:$0x1E900] =	vst v63  }
0x33: {  	_ =	swait.ge [sflag:s18], $0x4000  }
0x34: {  	[sflag:s18] =	ssyncset.done $0x0  }
0x35: {  	[sflag:s18] =	ssyncadd.s32 $0xFFFFC000  }
0x36: {  	[spmem:s9] =	stream.linear.scatter [tilespmem:s17], [sflag:$0x3], $0x4000, $0x38;
	[tilespmem:$0x1E900] =	vst v63  }
0x37: {  	_ =	swait.ge [sflag:s18], $0x4000  }
0x38: {  	[sflag:s18] =	ssyncset.done $0x0  }
0x39: {  	s29 =	simm.s32 $0x0;
	[sflag:s18] =	ssyncadd.s32 $0xFFFFC000  }
0x3a: {  	[tilespmem:s29], [sflag:$0x3] =	stream.linear.gather [hbm4b:s10+s29], $0x2800, $0x38;
	[tilespmem:$0x1E900] =	vst v63  }
0x3b: {  	_ =	swait.ge [sflag:s18], $0x2800  }
0x3c: {  	[sflag:s18] =	ssyncset.done $0x0  }
0x3d: {  	[sflag:s18] =	ssyncadd.s32 $0xFFFFD800  }
0x3e: {  	[bflag:$0x0] =	sbarrier.arrive $0xFFFF  }
0x3f: {  	[tilespmem:s19], [sflag:$0x3] =	stream.linear.gather [hbm4b:s11+s29], $0x80, $0x38;
	[tilespmem:$0x1E900] =	vst v63  }
0x40: {  	_ =	swait.ge [sflag:s18], $0x80  }
0x41: {  	[sflag:s18] =	ssyncset.done $0x0  }
0x42: {  	s28 =	simm.s32 $0x80;
	[sflag:s18] =	ssyncadd.s32 $0xFFFFFF80  }
0x43: {  	[tilespmem:s17], [sflag:$0x1] =	stream.indirect.gather [hbm4b:s4+s28], $0x80, s29, s28, $0xb8;
	[tilespmem:$0x1E900] =	vst v63  }
0x44: {  	_ = 	snop  }
0x45: {  	[tilespmem:s21], [sflag:$0x2] =	stream.indirect.gather [hbm4b:s4+s20], $0x80, s28, s20, $0xb8;
	[tilespmem:$0x1E900] =	vst v63  }
0x46: {  	s29 =	sadd.s32 $0x0, s15  }
0x47: {  	[tilespmem:s22], [sflag:$0x3] =	stream.linear.gather [hbm4b:s29+s3], $0x80, $0x38;
	[tilespmem:$0x1E900] =	vst v63  }
0x48: {  	_ =	swait.ge [sflag:s18], $0x80  }
0x49: {  	[sflag:s18] =	ssyncset.done $0x0  }
0x4a: {  	[sflag:s18] =	ssyncadd.s32 $0xFFFFFF80  }
0x4b: {  	_ =	swait.ge [sflag:s23], $0x4000  }
0x4c: {  	[sflag:s23] =	ssyncset.done $0x0  }
0x4d: {  	[sflag:s23] =	ssyncadd.s32 $0xFFFFC000  }
0x4e: {  	[spmem:s2] =	stream.indirect.scatter.add.f32 [tilespmem:s17], [sflag:$0x3], $0x80, s19, s20, $0xb8;
	[tilespmem:$0x1E900] =	vst v63  }
0x4f: {  	_ =	swait.ge [sflag:s18], $0x4000  }
0x50: {  	[sflag:s18] =	ssyncset.done $0x0  }
0x51: {  	s29 =	simm.s32 $0x100;
	[sflag:s18] =	ssyncadd.s32 $0xFFFFC000  }
0x52: {  	[tilespmem:s17], [sflag:$0x1] =	stream.indirect.gather [hbm4b:s4+s20], $0x80, s29, s20, $0xb8;
	[tilespmem:$0x1E900] =	vst v63  }
0x53: {  	s29 =	sadd.s32 $0x0, s16  }
0x54: {  	[tilespmem:s19], [sflag:$0x3] =	stream.linear.gather [hbm4b:s29+s3], $0x80, $0x38;
	[tilespmem:$0x1E900] =	vst v63  }
0x55: {  	_ =	swait.ge [sflag:s18], $0x80  }
0x56: {  	[sflag:s18] =	ssyncset.done $0x0  }
0x57: {  	[sflag:s18] =	ssyncadd.s32 $0xFFFFFF80  }
0x58: {  	_ =	swait.ge [sflag:s24], $0x4000  }
0x59: {  	[sflag:s24] =	ssyncset.done $0x0  }
0x5a: {  	[sflag:s24] =	ssyncadd.s32 $0xFFFFC000  }
0x5b: {  	[spmem:s2] =	stream.indirect.scatter.add.f32 [tilespmem:s21], [sflag:$0x3], $0x80, s22, s20, $0xb8;
	[tilespmem:$0x1E900] =	vst v63  }
0x5c: {  	_ =	swait.ge [sflag:s18], $0x4000  }
0x5d: {  	s29 =	simm.s32 $0x20;
	[sflag:s18] =	ssyncset.done $0x0  }
.LBB2_4:
0x5e: {  	p0 =	sne.s32 s29, $0x4C0;
	[sflag:s18] =	ssyncadd.s32 $0xFFFFC000;
	s28 =	sadd.s32 $0x100, s28  }
0x5f: {  	[tilespmem:s21], [sflag:$0x2] =	stream.indirect.gather [hbm4b:s4+s20], $0x80, s28, s20, $0xb8;
	[tilespmem:$0x1E900] =	vst v63  }
0x60: {  	s30 =	sadd.s32 s29, s15;
	s31 =	smov.u32 s29;
	s29 =	sadd.s32 $0x20, s29  }
0x61: {  	[tilespmem:s22], [sflag:$0x3] =	stream.linear.gather [hbm4b:s30+s3], $0x80, $0x38;
	[tilespmem:$0x1E900] =	vst v63  }
0x62: {  	_ =	swait.ge [sflag:s18], $0x80  }
0x63: {  	[sflag:s18] =	ssyncset.done $0x0  }
0x64: {  	[sflag:s18] =	ssyncadd.s32 $0xFFFFFF80  }
0x65: {  	_ =	swait.ge [sflag:s23], $0x4000  }
0x66: {  	[sflag:s23] =	ssyncset.done $0x0  }
0x67: {  	[sflag:s23] =	ssyncadd.s32 $0xFFFFC000  }
0x68: {  	[spmem:s2] =	stream.indirect.scatter.add.f32 [tilespmem:s17], [sflag:$0x3], $0x80, s19, s20, $0xb8;
	[tilespmem:$0x1E900] =	vst v63  }
0x69: {  	_ =	swait.ge [sflag:s18], $0x4000  }
0x6a: {  	[sflag:s18] =	ssyncset.done $0x0  }
0x6b: {  	s30 =	sadd.s32 $0x80, s28;
	[sflag:s18] =	ssyncadd.s32 $0xFFFFC000  }
0x6c: {  	[tilespmem:s17], [sflag:$0x1] =	stream.indirect.gather [hbm4b:s4+s20], $0x80, s30, s20, $0xb8;
	[tilespmem:$0x1E900] =	vst v63  }
0x6d: {  	s30 =	sadd.s32 s31, s16  }
0x6e: {  	[tilespmem:s19], [sflag:$0x3] =	stream.linear.gather [hbm4b:s30+s3], $0x80, $0x38;
	[tilespmem:$0x1E900] =	vst v63  }
0x6f: {  	_ =	swait.ge [sflag:s18], $0x80  }
0x70: {  	[sflag:s18] =	ssyncset.done $0x0  }
0x71: {  	[sflag:s18] =	ssyncadd.s32 $0xFFFFFF80  }
0x72: {  	_ =	swait.ge [sflag:s24], $0x4000  }
.Ltmp1:
0x73: {  	[sflag:s24] =	ssyncset.done $0x0;
	(pc) =	sbr.rel @p0 .LBB2_4-.Ltmp1, $4  }
0x74: {  	[sflag:s24] =	ssyncadd.s32 $0xFFFFC000  }
0x75: {  	[spmem:s2] =	stream.indirect.scatter.add.f32 [tilespmem:s21], [sflag:$0x3], $0x80, s22, s20, $0xb8;
	[tilespmem:$0x1E900] =	vst v63  }
0x76: {  	_ =	swait.ge [sflag:s18], $0x4000  }
0x77: {  	[sflag:s18] =	ssyncset.done $0x0  }
0x78: {  	[sflag:s18] =	ssyncadd.s32 $0xFFFFC000  }
0x79: {  	[tilespmem:s21], [sflag:$0x2] =	stream.indirect.gather [hbm4b:s4+s20], $0x80, s25, s20, $0xb8;
	[tilespmem:$0x1E900] =	vst v63  }
0x7a: {  	_ = 	snop  }
0x7b: {  	[tilespmem:s22], [sflag:$0x3] =	stream.linear.gather [hbm4b:s14+s3], $0x80, $0x38;
	[tilespmem:$0x1E900] =	vst v63  }
0x7c: {  	_ =	swait.ge [sflag:s18], $0x80  }
0x7d: {  	[sflag:s18] =	ssyncset.done $0x0  }
0x7e: {  	[sflag:s18] =	ssyncadd.s32 $0xFFFFFF80  }
0x7f: {  	_ =	swait.ge [sflag:s23], $0x4000  }
0x80: {  	[sflag:s23] =	ssyncset.done $0x0  }
0x81: {  	[sflag:s23] =	ssyncadd.s32 $0xFFFFC000  }
0x82: {  	[spmem:s2] =	stream.indirect.scatter.add.f32 [tilespmem:s17], [sflag:$0x3], $0x80, s19, s20, $0xb8;
	[tilespmem:$0x1E900] =	vst v63  }
0x83: {  	_ =	swait.ge [sflag:s18], $0x4000  }
0x84: {  	[sflag:s18] =	ssyncset.done $0x0  }
0x85: {  	[sflag:s18] =	ssyncadd.s32 $0xFFFFC000  }
0x86: {  	_ =	swait.ge [sflag:s24], $0x4000  }
0x87: {  	[sflag:s24] =	ssyncset.done $0x0  }
0x88: {  	[sflag:s24] =	ssyncadd.s32 $0xFFFFC000  }
0x89: {  	[spmem:s2] =	stream.indirect.scatter.add.f32 [tilespmem:s21], [sflag:$0x3], $0x80, s22, s20, $0xb8;
	[tilespmem:$0x1E900] =	vst v63  }
0x8a: {  	_ =	swait.ge [sflag:s18], $0x4000  }
0x8b: {  	s28 =	sshll.u32 s1, $0x6;
	s26 =	sadd.s32 $0x1, s26;
	[sflag:s18] =	ssyncset.done $0x0  }
0x8c: {  	s29 =	sshrl.u32 s5, $0x3;
	p0 =	sne.s32 s26, s13;
	[sflag:s18] =	ssyncadd.s32 $0xFFFFC000  }
.Ltmp2:
0x8d: {  	s28 =	sor.u32 $0x1C03, s28;
	[bflag:$0x0] =	sbarrier.arrive $0xFFFF;
	(pc) =	sbr.rel @p0 .LBB2_1-.Ltmp2, $4  }
0x8e: {  	[hbm:s12], [sflag:s28] =	dma.local [spmem:s29], $0x2800  }
0x8f: {  	_ =	swait.ge [sflag:s18], $0x2800  }
0x90: {  	[sflag:s18] =	ssyncset.done $0x0  }
0x91: {  	[sflag:s18] =	ssyncadd.s32 $0xFFFFD800  }
0x92: {  	_ =	sfence.sel $0x180000  }
0x93: {  	[bflag:$0x0] =	sbarrier.arrive $0xFFFF  }
0x94: {  	p0 =	sne.s32 s1, $0x0;
	_ =	strace $0x9000004A  }
0x95: {  	s0 =	sadd.s32 @!p0 $0x100000, s0;
	[bflag:$0x2] =	sbarrier.arrive $0xFFFF  }
0x96: {  	[sflag:s0] =	ssyncadd.tile.s32 @!p0 $0x1;
	_ =	shalt  }
.Lfunc_end2:
_tile_overlayer_lowered:
.L_overlay_start_2:
0x97: {  	(tag) =	ssettag $0x2  }
0x98: {  	s0 =	rddreg [dreg:$0x0];
	s2 =	stileid.u32  }
0x99: {  	s1 =	rddreg [dreg:$0x1];
	p0 =	sne.s32 s2, $0x0  }
0x9a: {  	s3 =	rddreg [dreg:$0x2];
	[bflag:$0x3] =	sbarrier.arrive $0xFFFF;
	s2 =	simm.s32 @!p0 $0x1C03  }
0x9b: {  	[timem:s3], [sflag:s2] =	dma.local @!p0 [hbm:s0], s1  }
0x9c: {  	s0 =	simm.s32 @!p0 $0x3  }
0x9d: {  	_ =	swait.ge @!p0 [sflag:s0], s1  }
0x9e: {  	s1 =	ssub.s32 @!p0 $0x0, s1;
	[sflag:s0] =	ssyncset.done @!p0 $0x0  }
0x9f: {  	[sflag:s0] =	ssyncadd.s32 @!p0 s1  }
0xa0: {  	[bflag:$0x3] =	sbarrier.arrive $0xFFFF  }
0xa1: {  	_ =	shalt  }

// kernel: kernel.15.cloned.1.call-start
scs
__scs_entry_jumppad:
0x0: {  	(pc) =	sbr.rel $0x88, $3  }
0x1: {  	(tag) =	ssettag $0x0;
	lr =	simm.s32 $0x1  }
0x2: {  	[smem:$0x3F94] =	sst lr;
	_ =	strace $0xD0000000  }
0x3: {  	_ = 	snop  }
0x4: {  	_ = 	snop  }
0x5: {  	_ = 	snop  }
0x6: {  	_ = 	snop  }
0x7: {  	_ = 	snop  }
__scs_overlays_trampoline_lowered:
0x8: {  	[smem:$0x3FA3] =	sst s0  }
0x9: {  	[smem:$0x3FA4] =	sst s1  }
0xa: {  	[smem:$0x3FA5] =	sst s2  }
0xb: {  	[smem:$0x3FA6] =	sst s3  }
0xc: {  	[smem:$0x3FA7] =	sst s4  }
0xd: {  	[smem:$0x3FA8] =	sst s5  }
0xe: {  	[smem:$0x3FA9] =	sst s6  }
0xf: {  	[smem:$0x3FAA] =	sst s7  }
0x10: {  	[smem:$0x3FAB] =	sst s8  }
0x11: {  	[smem:$0x3FAC] =	sst s9;
	s0 =	simm.s32 @!p0 $0x0  }
0x12: {  	s1 =	sld [smem:$0x3F92];
	s0 =	simm.s32 @p0 $0x1  }
0x13: {  	[smem:$0x3FAD] =	sst s0;
	s0 =	simm.s32 @!p1 $0x0  }
0x14: {  	s2 =	sld [smem:$0x3F91];
	s0 =	simm.s32 @p1 $0x1  }
0x15: {  	[smem:$0x3FAE] =	sst s0;
	s0 =	simm.s32 @!p2 $0x0  }
0x16: {  	s3 =	sld [smem:$0x3FDB];
	s0 =	simm.s32 @p2 $0x1  }
0x17: {  	s4 =	simm.s32 $0x1BF5;
	[smem:$0x3FB0] =	sst s0  }
0x18: {  	s0 =	sld [smem:$0x3F93];
	_ =	swait.ge [sflag:s4], $0x0  }
0x19: {  	s7 =	sld [smem:$0x3F94]  }
0x1a: {  	s8 =	sadd.s32 $0xFFFFE003, lr  }
0x1b: {  	s9 =	sadd.s32 $0xFFFFFEF7, lr;
	s5 =	simm.s32 $0xFFFFFFFF;
	p2 =	slt.u32 s8, $0xFFFFF086  }
0x1c: {  	p1 =	slt.u32 s9, $0xF7A;
	s5 =	simm.s32 @!p2 $0x0  }
0x1d: {  	s5 =	simm.s32 @p1 $0x1;
	p0 =	seq.s32 s7, s2  }
0x1e: {  	s7 =	smul.u32 @!p0 $0xF7A, s2;
	p2 =	seq.s32 @!p0 s5, $0x0  }
0x1f: {  	s9 =	smul.u32 $0xF7A, s1;
	s8 =	simm.s32 @!p0 $0x1BF5;
	p2 =	por !p2, p0  }
0x20: {  	[sflag:s8] =	ssyncset.s32 @!p0 $0xFFFFF086;
	s6 =	sadd.s32 @!p0 s3, s7;
	s7 =	simm.s32 @!p0 $0x108  }
0x21: {  	s3 =	sadd.s32 s3, s9;
	s6 =	sadd.s32 @!p0 $0x88, s6;
	s7 =	simm.s32 @p2 $0x1082  }
0x22: {  	[simem:s7], [sflag:s8] =	dma.local @!p0 [hbm:s6], $0xF7A  }
0x23: {  	s9 =	sor.u32 $0xD0000000, s2;
	s6 =	simm.s32 $0x108;
	_ =	swait.ge @!p0 [sflag:s8], $0x0  }
0x24: {  	s3 =	sadd.s32 $0x88, s3;
	s6 =	simm.s32 @!p1 $0x1082;
	[sflag:s4] =	ssyncset.s32 $0xFFFFF086  }
0x25: {  	[simem:s6], [sflag:s4] =	dma.local [hbm:s3], $0xF7A  }
0x26: {  	[smem:$0x3F94] =	sst s1;
	(tag) =	ssettag s2;
	_ =	strace s9  }
0x27: {  	s1 =	sld [smem:$0x3FA4]  }
0x28: {  	s2 =	sld [smem:$0x3FA5]  }
0x29: {  	s4 =	sld [smem:$0x3FA7]  }
0x2a: {  	p0 =	seq.s32 s5, $0x0;
	s5 =	sld [smem:$0x3FA8]  }
0x2b: {  	s6 =	sld [smem:$0x3FA9]  }
0x2c: {  	s7 =	sld [smem:$0x3FAA]  }
0x2d: {  	s3 =	simm.s32 $0x108;
	s8 =	sld [smem:$0x3FAB]  }
0x2e: {  	s3 =	simm.s32 @!p0 $0x1082;
	s9 =	sld [smem:$0x3FAC]  }
0x2f: {  	lr =	sadd.s32 s0, s3;
	s0 =	sld [smem:$0x3FA3]  }
0x30: {  	s3 =	sld [smem:$0x3FA6]  }
0x31: {  	[smem:$0x3FAF] =	sst s10  }
0x32: {  	s10 =	sld [smem:$0x3FAD];
	_ =	sdelay $0x3  }
0x33: {  	p0 =	seq.s32 s10, $0x1;
	s10 =	sld [smem:$0x3FAF];
	_ =	sdelay $0x3  }
0x34: {  	[smem:$0x3FAF] =	sst s10  }
0x35: {  	s10 =	sld [smem:$0x3FAE];
	_ =	sdelay $0x3  }
0x36: {  	p1 =	seq.s32 s10, $0x1;
	s10 =	sld [smem:$0x3FAF];
	_ =	sdelay $0x3  }
0x37: {  	[smem:$0x3FAF] =	sst s10  }
0x38: {  	s10 =	sld [smem:$0x3FB0]  }
0x39: {  	_ = 	snop;
	(pc) =	sbr.ind lr, $3  }
0x3a: {  	_ = 	snop  }
0x3b: {  	_ = 	snop  }
0x3c: {  	p2 =	seq.s32 s10, $0x1;
	s10 =	sld [smem:$0x3FAF]  }
0x3d: {  	_ =	shalt  }
0x3e: {  	_ =	shalt  }
0x3f: {  	_ =	shalt  }
0x40: {  	_ =	shalt  }
0x41: {  	_ =	shalt  }
0x42: {  	_ =	shalt  }
0x43: {  	_ =	shalt  }
0x44: {  	_ =	shalt  }
0x45: {  	_ =	shalt  }
0x46: {  	_ =	shalt  }
0x47: {  	_ =	shalt  }
0x48: {  	_ =	shalt  }
0x49: {  	_ =	shalt  }
0x4a: {  	_ =	shalt  }
0x4b: {  	_ =	shalt  }
0x4c: {  	_ =	shalt  }
0x4d: {  	_ =	shalt  }
0x4e: {  	_ =	shalt  }
0x4f: {  	_ =	shalt  }
0x50: {  	_ =	shalt  }
0x51: {  	_ =	shalt  }
0x52: {  	_ =	shalt  }
0x53: {  	_ =	shalt  }
0x54: {  	_ =	shalt  }
0x55: {  	_ =	shalt  }
0x56: {  	_ =	shalt  }
0x57: {  	_ =	shalt  }
0x58: {  	_ =	shalt  }
0x59: {  	_ =	shalt  }
0x5a: {  	_ =	shalt  }
0x5b: {  	_ =	shalt  }
0x5c: {  	_ =	shalt  }
0x5d: {  	_ =	shalt  }
0x5e: {  	_ =	shalt  }
0x5f: {  	_ =	shalt  }
0x60: {  	_ =	shalt  }
0x61: {  	_ =	shalt  }
0x62: {  	_ =	shalt  }
0x63: {  	_ =	shalt  }
0x64: {  	_ =	shalt  }
0x65: {  	_ =	shalt  }
0x66: {  	_ =	shalt  }
0x67: {  	_ =	shalt  }
0x68: {  	_ =	shalt  }
0x69: {  	_ =	shalt  }
0x6a: {  	_ =	shalt  }
0x6b: {  	_ =	shalt  }
0x6c: {  	_ =	shalt  }
0x6d: {  	_ =	shalt  }
0x6e: {  	_ =	shalt  }
0x6f: {  	_ =	shalt  }
0x70: {  	_ =	shalt  }
0x71: {  	_ =	shalt  }
0x72: {  	_ =	shalt  }
0x73: {  	_ =	shalt  }
0x74: {  	_ =	shalt  }
0x75: {  	_ =	shalt  }
0x76: {  	_ =	shalt  }
0x77: {  	_ =	shalt  }
0x78: {  	_ =	shalt  }
0x79: {  	_ =	shalt  }
0x7a: {  	_ =	shalt  }
0x7b: {  	_ =	shalt  }
0x7c: {  	_ =	shalt  }
0x7d: {  	_ =	shalt  }
0x7e: {  	_ =	shalt  }
0x7f: {  	_ =	shalt  }
0x80: {  	_ =	shalt  }
0x81: {  	_ =	shalt  }
0x82: {  	_ =	shalt  }
0x83: {  	_ =	shalt  }
0x84: {  	_ =	shalt  }
0x85: {  	_ =	shalt  }
0x86: {  	_ =	shalt  }
0x87: {  	_ =	shalt  }
.Lfunc_end0:
.L_simem_size_0:
called_computation.2_lowered:
.L_overlay_start_0:
0x88: {  	s2 =	sld [smem:$0x3FD9]  }
0x89: {  	s3 =	sld [smem:$0x3FFE];
	_ =	sdelay $0x1  }
0x8a: {  	s1 =	srdreg.scid  }
0x8b: {  	s0 =	sand.u32 $0x1, s1  }
0x8c: {  	s17 =	sshll.u32 s0, $0xA;
	s2 =	sadd.s32 s3, s2  }
0x8d: {  	s2 =	sadd.s32 s2, s17  }
0x8e: {  	[smem:$0x3FBB] =	sst s2  }
0x8f: {  	_ = 	snop  }
0x90: {  	s2 =	sld [smem:$0x3FD0];
	(tm) =	ssettm $0x1  }
0x91: {  	s18 =	sld [smem:$0x3FFB];
	_ =	sdelay $0x3  }
0x92: {  	_ =	strace s18  }
0x93: {  	s3 =	sld [smem:$0x3FFC];
	_ =	sdelay $0x3  }
0x94: {  	_ =	strace s3  }
0x95: {  	s3 =	sld [smem:$0x3FFD];
	_ =	sdelay $0x3  }
0x96: {  	_ =	strace s3  }
0x97: {  	_ =	strace $0x8FFFFFFF  }
0x98: {  	s19 =	sld [smem:$0x3FDB];
	_ =	sdelay $0x1  }
0x99: {  	s4 =	simm.s32 $_scs_section_size  }
0x9a: {  	s5 =	simm.s32 $_size__tile_overlayer_lowered;
	s6 =	simm.s32 $_tile_overlayer_lowered  }
0x9b: {  	s22 =	simm.s32 $0x1BFF;
	s21 =	sshll.u32 s6, $0x1;
	s3 =	sadd.s32 s4, s19  }
0x9c: {  	s7 =	simm.s32 $0x0;
	s20 =	sshll.u32 s5, $0x1;
	s5 =	sadd.s32 s21, s3  }
0x9d: {  	[timem:s7], [sflag:s22] =	dma.local [hbm:s5], s20  }
0x9e: {  	_ =	swait.ge [sflag:s22], s20  }
0x9f: {  	s4 =	ssub.s32 $0x0, s20;
	[sflag:s22] =	ssyncset.done $0x0  }
0xa0: {  	[sflag:s22] =	ssyncadd.s32 s4;
	_ =	sdelay $0x1  }
0xa1: {  	s23 =	simm.s32 $0x1B8B  }
0xa2: {  	_ =	swait.ge [sflag:s23], $0x1  }
0xa3: {  	[sflag:s23] =	ssyncset.done $0x0  }
0xa4: {  	s25 =	simm.s32 $0x1B8E;
	s24 =	sld [smem:$0x3FFE];
	[sflag:s23] =	ssyncadd.s32 $0xFFFFFFFF  }
0xa5: {  	s26 =	simm.s32 $execute0_lowered;
	[smem:$0x3FD2] =	sst s25  }
0xa6: {  	s5 =	sshll.u32 s26, $0x1;
	_ =	strace $0x8000004C;
	[dreg:$0x1] =	wrdreg $0xFFFFFFFF  }
0xa7: {  	s28 =	simm.s32 $_size_execute0_lowered;
	s3 =	sadd.s32 s3, s5;
	[dreg:$0x0] =	wrdreg $0x0  }
0xa8: {  	s5 =	sshll.u32 s28, $0x1;
	[dreg:$0x2] =	wrdreg s3  }
0xa9: {  	[dreg:$0x3] =	wrdreg s5  }
0xaa: {  	[dreg:$0x4] =	wrdreg $0xC0  }
0xab: {  	_ =	task [dreg:s7], $0x5FFFF  }
0xac: {  	[dreg:$0x1] =	wrdreg $0xFFFFFFFF  }
0xad: {  	[dreg:$0x0] =	wrdreg $0x60  }
0xae: {  	[dreg:$0x2] =	wrdreg s24  }
0xaf: {  	[dreg:$0x3] =	wrdreg s2  }
0xb0: {  	[dreg:$0x4] =	wrdreg $0xA9000  }
0xb1: {  	[dreg:$0x5] =	wrdreg $0x9  }
0xb2: {  	_ =	task.clear_ibuf [dreg:s7], $0x6FFFF;
	_ =	strace $0x9000004C  }
0xb3: {  	s29 =	simm.s32 $0x9;
	_ =	strace $0x8000004E  }
0xb4: {  	_ =	swait.ge [sflag:s29], $0x1  }
0xb5: {  	[sflag:s29] =	ssyncadd.s32 $0xFFFFFFFF  }
0xb6: {  	_ =	strace $0x9000004E  }
0xb7: {  	_ =	sfence  }
0xb8: {  	s30 =	sld [smem:$0x0];
	_ =	sdelay $0x2  }
0xb9: {  	s31 =	sshll.u32 s1, $0xD;
	s1 =	sshrl.u32 s1, $0x2  }
0xba: {  	s3 =	sand.u32 $0x4000, s31;
	s1 =	sadd.s32 s1, s30  }
0xbb: {  	s0 =	sor.u32 s3, s0;
	s1 =	sshll.u32 s1, $0x11  }
0xbc: {  	s0 =	sor.u32 s1, s0  }
0xbd: {  	s0 =	sadd.s32 $0x8F2B, s0  }
0xbe: {  	[sflag:s0] =	ssyncadd.remote.s32 $0x1  }
0xbf: {  	_ =	sfence.sel $0xFFFF  }
0xc0: {  	[dreg:$0x0] =	wrdreg $0xFFFFFFFF;
	(pc) =	sbr.abs _section_cstart, $3  }
0xc1: {  	[dreg:$0x1] =	wrdreg $0xFFFFFFFF  }
0xc2: {  	_ =	task.clear_ibuf [dreg:s7], $0x2FFFF;
	_ =	strace $0x9FFFFFFF  }
0xc3: {  	(tm) =	ssettm $0x7FFFFFFF  }
tec
execute0_lowered:
.L_overlay_start_1:
0x0: {  	(tag) =	ssettag $0x1  }
0x1: {  	s5 =	rddreg [dreg:$0x0]  }
0x2: {  	s12 =	rddreg [dreg:$0x1]  }
0x3: {  	s0 =	srdreg.scid;
	s2 =	rddreg [dreg:$0x2]  }
0x4: {  	s1 =	stileid.u32;
	s3 =	simm.s32 $0x0;
	s18 =	simm.s32 $0x3  }
0x5: {  	s19 =	simm.s32 $0x2800;
	s20 =	simm.s32 $0x80;
	s21 =	simm.s32 $0x6900  }
0x6: {  	s22 =	simm.s32 $0x2880;
	s23 =	simm.s32 $0x1;
	s24 =	simm.s32 $0x2  }
0x7: {  	s25 =	simm.s32 $0x2780;
	s26 =	simm.s32 $0x0;
	s29 =	smul.u32 $0x50000, s1  }
0x8: {  	s8 =	sand.u32 $0x1, s0;
	s0 =	rddreg [dreg:$0x3];
	s14 =	smul.u32 $0x14000, s1  }
0x9: {  	[smem:$0x7FF] =	sst s3;
	s16 =	sadd.s32 $0x3A00, s5;
	s17 =	smul.u32 $0x2800, s1  }
0xa: {  	s4 =	sshll.u32 s8, $0x4;
	_ =	strace $0x8000004D;
	s9 =	smul.u32 $0x140000, s8  }
0xb: {  	s30 =	ssub.s32 $0x2, s8;
	s15 =	smul.u32 $0x28000, s8;
	s4 =	sor.u32 s1, s4  }
0xc: {  	s7 =	sshrl.u32 s30, $0x1;
	s6 =	smul.u32 $0x2800, s4;
	s4 =	sadd.s32 $0x67A00, s5  }
0xd: {  	s13 =	ssub.s32 s30, s7;
	s14 =	sadd.s32 s14, s9;
	s31 =	sadd.s32 s17, s15  }
0xe: {  	s14 =	sshrl.u32 s14, $0x3;
	s13 =	smax.u32 s13, $0x1;
	s15 =	sor.u32 $0x80, s31  }
0xf: {  	s17 =	sor.u32 $0x100, s31;
	s11 =	sshrl.u32 s6, $0x3;
	s6 =	sshrl.u32 s29, $0x2  }
0x10: {  	s12 =	sadd.s32 s12, s14;
	s15 =	sshrl.u32 s15, $0x3;
	s17 =	sshrl.u32 s17, $0x3  }
0x11: {  	s10 =	sadd.s32 s11, s5;
	s5 =	sadd.s32 s6, s2;
	s11 =	sadd.s32 s16, s11  }
0x12: {  	s15 =	sadd.s32 s15, s16;
	s16 =	sadd.s32 s17, s16;
	s17 =	simm.s32 $0x2900  }
0x13: {  	s6 =	sadd.s32 $0x4000, s5;
	s7 =	sadd.s32 $0x8000, s5;
	s8 =	sadd.s32 $0xC000, s5  }
0x14: {  	v0 =	vimm.f32 $0.0e+00;
	s9 =	sadd.s32 $0x10000, s5;
	s10 =	sadd.s32 $0xDA00, s10;
	s14 =	sadd.s32 $0x4F0, s11  }
.LBB2_1:
0x15: {  	s28 =	simm.s32 $0x0;
	s29 =	simm.s32 $0x200  }
.LBB2_2:
0x16: {  	p0 =	sne.s32 s29, $0xFE00;
	[tilespmem:s28+$0x2970] =	vst v0  }
0x17: {  	[tilespmem:s28+$0x2900] =	vst v0  }
0x18: {  	[tilespmem:s28+$0x2910] =	vst v0  }
.Ltmp0:
0x19: {  	[tilespmem:s28+$0x2920] =	vst v0;
	(pc) =	sbr.rel @p0 .LBB2_2-.Ltmp0, $4  }
0x1a: {  	[tilespmem:s28+$0x2930] =	vst v0  }
0x1b: {  	[tilespmem:s28+$0x2940] =	vst v0  }
0x1c: {  	[tilespmem:s28+$0x2950] =	vst v0  }
0x1d: {  	[tilespmem:s28+$0x2960] =	vst v0;
	s28 =	sshra.s32 s29, $0x2;
	s29 =	sadd.s32 $0x200, s29  }
0x1e: {  	[tilespmem:s28+$0x2970] =	vst v0  }
0x1f: {  	[tilespmem:s28+$0x2900] =	vst v0  }
0x20: {  	[tilespmem:s28+$0x2910] =	vst v0  }
0x21: {  	[tilespmem:s28+$0x2920] =	vst v0  }
0x22: {  	[tilespmem:s28+$0x2930] =	vst v0  }
0x23: {  	[tilespmem:s28+$0x2940] =	vst v0  }
0x24: {  	[tilespmem:s28+$0x2950] =	vst v0  }
0x25: {  	[tilespmem:s28+$0x2960] =	vst v0  }
0x26: {  	[spmem:s5] =	stream.linear.scatter [tilespmem:s17], [sflag:$0x3], $0x4000, $0x38;
	[tilespmem:$0x1E900] =	vst v63  }
0x27: {  	_ =	swait.ge [sflag:s18], $0x4000  }
0x28: {  	[sflag:s18] =	ssyncset.done $0x0  }
0x29: {  	[sflag:s18] =	ssyncadd.s32 $0xFFFFC000  }
0x2a: {  	[spmem:s6] =	stream.linear.scatter [tilespmem:s17], [sflag:$0x3], $0x4000, $0x38;
	[tilespmem:$0x1E900] =	vst v63  }
0x2b: {  	_ =	swait.ge [sflag:s18], $0x4000  }
0x2c: {  	[sflag:s18] =	ssyncset.done $0x0  }
0x2d: {  	[sflag:s18] =	ssyncadd.s32 $0xFFFFC000  }
0x2e: {  	[spmem:s7] =	stream.linear.scatter [tilespmem:s17], [sflag:$0x3], $0x4000, $0x38;
	[tilespmem:$0x1E900] =	vst v63  }
0x2f: {  	_ =	swait.ge [sflag:s18], $0x4000  }
0x30: {  	[sflag:s18] =	ssyncset.done $0x0  }
0x31: {  	[sflag:s18] =	ssyncadd.s32 $0xFFFFC000  }
0x32: {  	[spmem:s8] =	stream.linear.scatter [tilespmem:s17], [sflag:$0x3], $0x4000, $0x38;
	[tilespmem:$0x1E900] =	vst v63  }
0x33: {  	_ =	swait.ge [sflag:s18], $0x4000  }
0x34: {  	[sflag:s18] =	ssyncset.done $0x0  }
0x35: {  	[sflag:s18] =	ssyncadd.s32 $0xFFFFC000  }
0x36: {  	[spmem:s9] =	stream.linear.scatter [tilespmem:s17], [sflag:$0x3], $0x4000, $0x38;
	[tilespmem:$0x1E900] =	vst v63  }
0x37: {  	_ =	swait.ge [sflag:s18], $0x4000  }
0x38: {  	[sflag:s18] =	ssyncset.done $0x0  }
0x39: {  	s29 =	simm.s32 $0x0;
	[sflag:s18] =	ssyncadd.s32 $0xFFFFC000  }
0x3a: {  	[tilespmem:s29], [sflag:$0x3] =	stream.linear.gather [hbm4b:s10+s29], $0x2800, $0x38;
	[tilespmem:$0x1E900] =	vst v63  }
0x3b: {  	_ =	swait.ge [sflag:s18], $0x2800  }
0x3c: {  	[sflag:s18] =	ssyncset.done $0x0  }
0x3d: {  	[sflag:s18] =	ssyncadd.s32 $0xFFFFD800  }
0x3e: {  	[bflag:$0x0] =	sbarrier.arrive $0xFFFF  }
0x3f: {  	[tilespmem:s19], [sflag:$0x3] =	stream.linear.gather [hbm4b:s11+s29], $0x80, $0x38;
	[tilespmem:$0x1E900] =	vst v63  }
0x40: {  	_ =	swait.ge [sflag:s18], $0x80  }
0x41: {  	[sflag:s18] =	ssyncset.done $0x0  }
0x42: {  	s28 =	simm.s32 $0x80;
	[sflag:s18] =	ssyncadd.s32 $0xFFFFFF80  }
0x43: {  	[tilespmem:s17], [sflag:$0x1] =	stream.indirect.gather [hbm4b:s4+s28], $0x80, s29, s28, $0xb8;
	[tilespmem:$0x1E900] =	vst v63  }
0x44: {  	_ = 	snop  }
0x45: {  	[tilespmem:s21], [sflag:$0x2] =	stream.indirect.gather [hbm4b:s4+s20], $0x80, s28, s20, $0xb8;
	[tilespmem:$0x1E900] =	vst v63  }
0x46: {  	s29 =	sadd.s32 $0x0, s15  }
0x47: {  	[tilespmem:s22], [sflag:$0x3] =	stream.linear.gather [hbm4b:s29+s3], $0x80, $0x38;
	[tilespmem:$0x1E900] =	vst v63  }
0x48: {  	_ =	swait.ge [sflag:s18], $0x80  }
0x49: {  	[sflag:s18] =	ssyncset.done $0x0  }
0x4a: {  	[sflag:s18] =	ssyncadd.s32 $0xFFFFFF80  }
0x4b: {  	_ =	swait.ge [sflag:s23], $0x4000  }
0x4c: {  	[sflag:s23] =	ssyncset.done $0x0  }
0x4d: {  	[sflag:s23] =	ssyncadd.s32 $0xFFFFC000  }
0x4e: {  	[spmem:s2] =	stream.indirect.scatter.add.f32 [tilespmem:s17], [sflag:$0x3], $0x80, s19, s20, $0xb8;
	[tilespmem:$0x1E900] =	vst v63  }
0x4f: {  	_ =	swait.ge [sflag:s18], $0x4000  }
0x50: {  	[sflag:s18] =	ssyncset.done $0x0  }
0x51: {  	s29 =	simm.s32 $0x100;
	[sflag:s18] =	ssyncadd.s32 $0xFFFFC000  }
0x52: {  	[tilespmem:s17], [sflag:$0x1] =	stream.indirect.gather [hbm4b:s4+s20], $0x80, s29, s20, $0xb8;
	[tilespmem:$0x1E900] =	vst v63  }
0x53: {  	s29 =	sadd.s32 $0x0, s16  }
0x54: {  	[tilespmem:s19], [sflag:$0x3] =	stream.linear.gather [hbm4b:s29+s3], $0x80, $0x38;
	[tilespmem:$0x1E900] =	vst v63  }
0x55: {  	_ =	swait.ge [sflag:s18], $0x80  }
0x56: {  	[sflag:s18] =	ssyncset.done $0x0  }
0x57: {  	[sflag:s18] =	ssyncadd.s32 $0xFFFFFF80  }
0x58: {  	_ =	swait.ge [sflag:s24], $0x4000  }
0x59: {  	[sflag:s24] =	ssyncset.done $0x0  }
0x5a: {  	[sflag:s24] =	ssyncadd.s32 $0xFFFFC000  }
0x5b: {  	[spmem:s2] =	stream.indirect.scatter.add.f32 [tilespmem:s21], [sflag:$0x3], $0x80, s22, s20, $0xb8;
	[tilespmem:$0x1E900] =	vst v63  }
0x5c: {  	_ =	swait.ge [sflag:s18], $0x4000  }
0x5d: {  	s29 =	simm.s32 $0x20;
	[sflag:s18] =	ssyncset.done $0x0  }
.LBB2_4:
0x5e: {  	p0 =	sne.s32 s29, $0x4C0;
	[sflag:s18] =	ssyncadd.s32 $0xFFFFC000;
	s28 =	sadd.s32 $0x100, s28  }
0x5f: {  	[tilespmem:s21], [sflag:$0x2] =	stream.indirect.gather [hbm4b:s4+s20], $0x80, s28, s20, $0xb8;
	[tilespmem:$0x1E900] =	vst v63  }
0x60: {  	s30 =	sadd.s32 s29, s15;
	s31 =	smov.u32 s29;
	s29 =	sadd.s32 $0x20, s29  }
0x61: {  	[tilespmem:s22], [sflag:$0x3] =	stream.linear.gather [hbm4b:s30+s3], $0x80, $0x38;
	[tilespmem:$0x1E900] =	vst v63  }
0x62: {  	_ =	swait.ge [sflag:s18], $0x80  }
0x63: {  	[sflag:s18] =	ssyncset.done $0x0  }
0x64: {  	[sflag:s18] =	ssyncadd.s32 $0xFFFFFF80  }
0x65: {  	_ =	swait.ge [sflag:s23], $0x4000  }
0x66: {  	[sflag:s23] =	ssyncset.done $0x0  }
0x67: {  	[sflag:s23] =	ssyncadd.s32 $0xFFFFC000  }
0x68: {  	[spmem:s2] =	stream.indirect.scatter.add.f32 [tilespmem:s17], [sflag:$0x3], $0x80, s19, s20, $0xb8;
	[tilespmem:$0x1E900] =	vst v63  }
0x69: {  	_ =	swait.ge [sflag:s18], $0x4000  }
0x6a: {  	[sflag:s18] =	ssyncset.done $0x0  }
0x6b: {  	s30 =	sadd.s32 $0x80, s28;
	[sflag:s18] =	ssyncadd.s32 $0xFFFFC000  }
0x6c: {  	[tilespmem:s17], [sflag:$0x1] =	stream.indirect.gather [hbm4b:s4+s20], $0x80, s30, s20, $0xb8;
	[tilespmem:$0x1E900] =	vst v63  }
0x6d: {  	s30 =	sadd.s32 s31, s16  }
0x6e: {  	[tilespmem:s19], [sflag:$0x3] =	stream.linear.gather [hbm4b:s30+s3], $0x80, $0x38;
	[tilespmem:$0x1E900] =	vst v63  }
0x6f: {  	_ =	swait.ge [sflag:s18], $0x80  }
0x70: {  	[sflag:s18] =	ssyncset.done $0x0  }
0x71: {  	[sflag:s18] =	ssyncadd.s32 $0xFFFFFF80  }
0x72: {  	_ =	swait.ge [sflag:s24], $0x4000  }
.Ltmp1:
0x73: {  	[sflag:s24] =	ssyncset.done $0x0;
	(pc) =	sbr.rel @p0 .LBB2_4-.Ltmp1, $4  }
0x74: {  	[sflag:s24] =	ssyncadd.s32 $0xFFFFC000  }
0x75: {  	[spmem:s2] =	stream.indirect.scatter.add.f32 [tilespmem:s21], [sflag:$0x3], $0x80, s22, s20, $0xb8;
	[tilespmem:$0x1E900] =	vst v63  }
0x76: {  	_ =	swait.ge [sflag:s18], $0x4000  }
0x77: {  	[sflag:s18] =	ssyncset.done $0x0  }
0x78: {  	[sflag:s18] =	ssyncadd.s32 $0xFFFFC000  }
0x79: {  	[tilespmem:s21], [sflag:$0x2] =	stream.indirect.gather [hbm4b:s4+s20], $0x80, s25, s20, $0xb8;
	[tilespmem:$0x1E900] =	vst v63  }
0x7a: {  	_ = 	snop  }
0x7b: {  	[tilespmem:s22], [sflag:$0x3] =	stream.linear.gather [hbm4b:s14+s3], $0x80, $0x38;
	[tilespmem:$0x1E900] =	vst v63  }
0x7c: {  	_ =	swait.ge [sflag:s18], $0x80  }
0x7d: {  	[sflag:s18] =	ssyncset.done $0x0  }
0x7e: {  	[sflag:s18] =	ssyncadd.s32 $0xFFFFFF80  }
0x7f: {  	_ =	swait.ge [sflag:s23], $0x4000  }
0x80: {  	[sflag:s23] =	ssyncset.done $0x0  }
0x81: {  	[sflag:s23] =	ssyncadd.s32 $0xFFFFC000  }
0x82: {  	[spmem:s2] =	stream.indirect.scatter.add.f32 [tilespmem:s17], [sflag:$0x3], $0x80, s19, s20, $0xb8;
	[tilespmem:$0x1E900] =	vst v63  }
0x83: {  	_ =	swait.ge [sflag:s18], $0x4000  }
0x84: {  	[sflag:s18] =	ssyncset.done $0x0  }
0x85: {  	[sflag:s18] =	ssyncadd.s32 $0xFFFFC000  }
0x86: {  	_ =	swait.ge [sflag:s24], $0x4000  }
0x87: {  	[sflag:s24] =	ssyncset.done $0x0  }
0x88: {  	[sflag:s24] =	ssyncadd.s32 $0xFFFFC000  }
0x89: {  	[spmem:s2] =	stream.indirect.scatter.add.f32 [tilespmem:s21], [sflag:$0x3], $0x80, s22, s20, $0xb8;
	[tilespmem:$0x1E900] =	vst v63  }
0x8a: {  	_ =	swait.ge [sflag:s18], $0x4000  }
0x8b: {  	s28 =	sshll.u32 s1, $0x6;
	s26 =	sadd.s32 $0x1, s26;
	[sflag:s18] =	ssyncset.done $0x0  }
0x8c: {  	s29 =	sshrl.u32 s5, $0x3;
	p0 =	sne.s32 s26, s13;
	[sflag:s18] =	ssyncadd.s32 $0xFFFFC000  }
.Ltmp2:
0x8d: {  	s28 =	sor.u32 $0x1C03, s28;
	[bflag:$0x0] =	sbarrier.arrive $0xFFFF;
	(pc) =	sbr.rel @p0 .LBB2_1-.Ltmp2, $4  }
0x8e: {  	[hbm:s12], [sflag:s28] =	dma.local [spmem:s29], $0x2800  }
0x8f: {  	_ =	swait.ge [sflag:s18], $0x2800  }
0x90: {  	[sflag:s18] =	ssyncset.done $0x0  }
0x91: {  	[sflag:s18] =	ssyncadd.s32 $0xFFFFD800  }
0x92: {  	_ =	sfence.sel $0x180000  }
0x93: {  	[bflag:$0x0] =	sbarrier.arrive $0xFFFF  }
0x94: {  	p0 =	sne.s32 s1, $0x0;
	_ =	strace $0x9000004D  }
0x95: {  	s0 =	sadd.s32 @!p0 $0x100000, s0;
	[bflag:$0x2] =	sbarrier.arrive $0xFFFF  }
0x96: {  	[sflag:s0] =	ssyncadd.tile.s32 @!p0 $0x1;
	_ =	shalt  }
.Lfunc_end2:
_tile_overlayer_lowered:
.L_overlay_start_2:
0x97: {  	(tag) =	ssettag $0x2  }
0x98: {  	s0 =	rddreg [dreg:$0x0];
	s2 =	stileid.u32  }
0x99: {  	s1 =	rddreg [dreg:$0x1];
	p0 =	sne.s32 s2, $0x0  }
0x9a: {  	s3 =	rddreg [dreg:$0x2];
	[bflag:$0x3] =	sbarrier.arrive $0xFFFF;
	s2 =	simm.s32 @!p0 $0x1C03  }
0x9b: {  	[timem:s3], [sflag:s2] =	dma.local @!p0 [hbm:s0], s1  }
0x9c: {  	s0 =	simm.s32 @!p0 $0x3  }
0x9d: {  	_ =	swait.ge @!p0 [sflag:s0], s1  }
0x9e: {  	s1 =	ssub.s32 @!p0 $0x0, s1;
	[sflag:s0] =	ssyncset.done @!p0 $0x0  }
0x9f: {  	[sflag:s0] =	ssyncadd.s32 @!p0 s1  }
0xa0: {  	[bflag:$0x3] =	sbarrier.arrive $0xFFFF  }
0xa1: {  	_ =	shalt  }

// kernel: kernel.9.cloned.1.call-start
scs
__scs_entry_jumppad:
0x0: {  	(pc) =	sbr.rel $0x88, $3  }
0x1: {  	(tag) =	ssettag $0x0;
	lr =	simm.s32 $0x1  }
0x2: {  	[smem:$0x3F94] =	sst lr;
	_ =	strace $0xD0000000  }
0x3: {  	_ = 	snop  }
0x4: {  	_ = 	snop  }
0x5: {  	_ = 	snop  }
0x6: {  	_ = 	snop  }
0x7: {  	_ = 	snop  }
__scs_overlays_trampoline_lowered:
0x8: {  	[smem:$0x3FA3] =	sst s0  }
0x9: {  	[smem:$0x3FA4] =	sst s1  }
0xa: {  	[smem:$0x3FA5] =	sst s2  }
0xb: {  	[smem:$0x3FA6] =	sst s3  }
0xc: {  	[smem:$0x3FA7] =	sst s4  }
0xd: {  	[smem:$0x3FA8] =	sst s5  }
0xe: {  	[smem:$0x3FA9] =	sst s6  }
0xf: {  	[smem:$0x3FAA] =	sst s7  }
0x10: {  	[smem:$0x3FAB] =	sst s8  }
0x11: {  	[smem:$0x3FAC] =	sst s9;
	s0 =	simm.s32 @!p0 $0x0  }
0x12: {  	s1 =	sld [smem:$0x3F92];
	s0 =	simm.s32 @p0 $0x1  }
0x13: {  	[smem:$0x3FAD] =	sst s0;
	s0 =	simm.s32 @!p1 $0x0  }
0x14: {  	s2 =	sld [smem:$0x3F91];
	s0 =	simm.s32 @p1 $0x1  }
0x15: {  	[smem:$0x3FAE] =	sst s0;
	s0 =	simm.s32 @!p2 $0x0  }
0x16: {  	s3 =	sld [smem:$0x3FDB];
	s0 =	simm.s32 @p2 $0x1  }
0x17: {  	s4 =	simm.s32 $0x1BF5;
	[smem:$0x3FB0] =	sst s0  }
0x18: {  	s0 =	sld [smem:$0x3F93];
	_ =	swait.ge [sflag:s4], $0x0  }
0x19: {  	s7 =	sld [smem:$0x3F94]  }
0x1a: {  	s8 =	sadd.s32 $0xFFFFE003, lr  }
0x1b: {  	s9 =	sadd.s32 $0xFFFFFEF7, lr;
	s5 =	simm.s32 $0xFFFFFFFF;
	p2 =	slt.u32 s8, $0xFFFFF086  }
0x1c: {  	p1 =	slt.u32 s9, $0xF7A;
	s5 =	simm.s32 @!p2 $0x0  }
0x1d: {  	s5 =	simm.s32 @p1 $0x1;
	p0 =	seq.s32 s7, s2  }
0x1e: {  	s7 =	smul.u32 @!p0 $0xF7A, s2;
	p2 =	seq.s32 @!p0 s5, $0x0  }
0x1f: {  	s9 =	smul.u32 $0xF7A, s1;
	s8 =	simm.s32 @!p0 $0x1BF5;
	p2 =	por !p2, p0  }
0x20: {  	[sflag:s8] =	ssyncset.s32 @!p0 $0xFFFFF086;
	s6 =	sadd.s32 @!p0 s3, s7;
	s7 =	simm.s32 @!p0 $0x108  }
0x21: {  	s3 =	sadd.s32 s3, s9;
	s6 =	sadd.s32 @!p0 $0x88, s6;
	s7 =	simm.s32 @p2 $0x1082  }
0x22: {  	[simem:s7], [sflag:s8] =	dma.local @!p0 [hbm:s6], $0xF7A  }
0x23: {  	s9 =	sor.u32 $0xD0000000, s2;
	s6 =	simm.s32 $0x108;
	_ =	swait.ge @!p0 [sflag:s8], $0x0  }
0x24: {  	s3 =	sadd.s32 $0x88, s3;
	s6 =	simm.s32 @!p1 $0x1082;
	[sflag:s4] =	ssyncset.s32 $0xFFFFF086  }
0x25: {  	[simem:s6], [sflag:s4] =	dma.local [hbm:s3], $0xF7A  }
0x26: {  	[smem:$0x3F94] =	sst s1;
	(tag) =	ssettag s2;
	_ =	strace s9  }
0x27: {  	s1 =	sld [smem:$0x3FA4]  }
0x28: {  	s2 =	sld [smem:$0x3FA5]  }
0x29: {  	s4 =	sld [smem:$0x3FA7]  }
0x2a: {  	p0 =	seq.s32 s5, $0x0;
	s5 =	sld [smem:$0x3FA8]  }
0x2b: {  	s6 =	sld [smem:$0x3FA9]  }
0x2c: {  	s7 =	sld [smem:$0x3FAA]  }
0x2d: {  	s3 =	simm.s32 $0x108;
	s8 =	sld [smem:$0x3FAB]  }
0x2e: {  	s3 =	simm.s32 @!p0 $0x1082;
	s9 =	sld [smem:$0x3FAC]  }
0x2f: {  	lr =	sadd.s32 s0, s3;
	s0 =	sld [smem:$0x3FA3]  }
0x30: {  	s3 =	sld [smem:$0x3FA6]  }
0x31: {  	[smem:$0x3FAF] =	sst s10  }
0x32: {  	s10 =	sld [smem:$0x3FAD];
	_ =	sdelay $0x3  }
0x33: {  	p0 =	seq.s32 s10, $0x1;
	s10 =	sld [smem:$0x3FAF];
	_ =	sdelay $0x3  }
0x34: {  	[smem:$0x3FAF] =	sst s10  }
0x35: {  	s10 =	sld [smem:$0x3FAE];
	_ =	sdelay $0x3  }
0x36: {  	p1 =	seq.s32 s10, $0x1;
	s10 =	sld [smem:$0x3FAF];
	_ =	sdelay $0x3  }
0x37: {  	[smem:$0x3FAF] =	sst s10  }
0x38: {  	s10 =	sld [smem:$0x3FB0]  }
0x39: {  	_ = 	snop;
	(pc) =	sbr.ind lr, $3  }
0x3a: {  	_ = 	snop  }
0x3b: {  	_ = 	snop  }
0x3c: {  	p2 =	seq.s32 s10, $0x1;
	s10 =	sld [smem:$0x3FAF]  }
0x3d: {  	_ =	shalt  }
0x3e: {  	_ =	shalt  }
0x3f: {  	_ =	shalt  }
0x40: {  	_ =	shalt  }
0x41: {  	_ =	shalt  }
0x42: {  	_ =	shalt  }
0x43: {  	_ =	shalt  }
0x44: {  	_ =	shalt  }
0x45: {  	_ =	shalt  }
0x46: {  	_ =	shalt  }
0x47: {  	_ =	shalt  }
0x48: {  	_ =	shalt  }
0x49: {  	_ =	shalt  }
0x4a: {  	_ =	shalt  }
0x4b: {  	_ =	shalt  }
0x4c: {  	_ =	shalt  }
0x4d: {  	_ =	shalt  }
0x4e: {  	_ =	shalt  }
0x4f: {  	_ =	shalt  }
0x50: {  	_ =	shalt  }
0x51: {  	_ =	shalt  }
0x52: {  	_ =	shalt  }
0x53: {  	_ =	shalt  }
0x54: {  	_ =	shalt  }
0x55: {  	_ =	shalt  }
0x56: {  	_ =	shalt  }
0x57: {  	_ =	shalt  }
0x58: {  	_ =	shalt  }
0x59: {  	_ =	shalt  }
0x5a: {  	_ =	shalt  }
0x5b: {  	_ =	shalt  }
0x5c: {  	_ =	shalt  }
0x5d: {  	_ =	shalt  }
0x5e: {  	_ =	shalt  }
0x5f: {  	_ =	shalt  }
0x60: {  	_ =	shalt  }
0x61: {  	_ =	shalt  }
0x62: {  	_ =	shalt  }
0x63: {  	_ =	shalt  }
0x64: {  	_ =	shalt  }
0x65: {  	_ =	shalt  }
0x66: {  	_ =	shalt  }
0x67: {  	_ =	shalt  }
0x68: {  	_ =	shalt  }
0x69: {  	_ =	shalt  }
0x6a: {  	_ =	shalt  }
0x6b: {  	_ =	shalt  }
0x6c: {  	_ =	shalt  }
0x6d: {  	_ =	shalt  }
0x6e: {  	_ =	shalt  }
0x6f: {  	_ =	shalt  }
0x70: {  	_ =	shalt  }
0x71: {  	_ =	shalt  }
0x72: {  	_ =	shalt  }
0x73: {  	_ =	shalt  }
0x74: {  	_ =	shalt  }
0x75: {  	_ =	shalt  }
0x76: {  	_ =	shalt  }
0x77: {  	_ =	shalt  }
0x78: {  	_ =	shalt  }
0x79: {  	_ =	shalt  }
0x7a: {  	_ =	shalt  }
0x7b: {  	_ =	shalt  }
0x7c: {  	_ =	shalt  }
0x7d: {  	_ =	shalt  }
0x7e: {  	_ =	shalt  }
0x7f: {  	_ =	shalt  }
0x80: {  	_ =	shalt  }
0x81: {  	_ =	shalt  }
0x82: {  	_ =	shalt  }
0x83: {  	_ =	shalt  }
0x84: {  	_ =	shalt  }
0x85: {  	_ =	shalt  }
0x86: {  	_ =	shalt  }
0x87: {  	_ =	shalt  }
.Lfunc_end0:
.L_simem_size_0:
called_computation_lowered:
.L_overlay_start_0:
0x88: {  	s2 =	sld [smem:$0x3FD9]  }
0x89: {  	s3 =	sld [smem:$0x3FFE];
	_ =	sdelay $0x1  }
0x8a: {  	s1 =	srdreg.scid  }
0x8b: {  	s0 =	sand.u32 $0x1, s1  }
0x8c: {  	s16 =	sshll.u32 s0, $0xA;
	s2 =	sadd.s32 s3, s2  }
0x8d: {  	s2 =	sadd.s32 s2, s16  }
0x8e: {  	[smem:$0x3FBB] =	sst s2  }
0x8f: {  	_ = 	snop  }
0x90: {  	(tm) =	ssettm $0x1  }
0x91: {  	s17 =	sld [smem:$0x3FFB];
	_ =	sdelay $0x3  }
0x92: {  	_ =	strace s17  }
0x93: {  	s2 =	sld [smem:$0x3FFC];
	_ =	sdelay $0x3  }
0x94: {  	_ =	strace s2  }
0x95: {  	s2 =	sld [smem:$0x3FFD];
	_ =	sdelay $0x3  }
0x96: {  	_ =	strace s2  }
0x97: {  	_ =	strace $0x8FFFFFFF  }
0x98: {  	s18 =	sld [smem:$0x3FDB];
	_ =	sdelay $0x1  }
0x99: {  	s19 =	simm.s32 $_scs_section_size  }
0x9a: {  	s4 =	simm.s32 $_size__tile_overlayer_lowered;
	s5 =	simm.s32 $_tile_overlayer_lowered  }
0x9b: {  	s22 =	simm.s32 $0x1BFF;
	s21 =	sshll.u32 s5, $0x1;
	s2 =	sadd.s32 s19, s18  }
0x9c: {  	s6 =	simm.s32 $0x0;
	s20 =	sshll.u32 s4, $0x1;
	s4 =	sadd.s32 s21, s2  }
0x9d: {  	[timem:s6], [sflag:s22] =	dma.local [hbm:s4], s20  }
0x9e: {  	_ =	swait.ge [sflag:s22], s20  }
0x9f: {  	s3 =	ssub.s32 $0x0, s20;
	[sflag:s22] =	ssyncset.done $0x0  }
0xa0: {  	[sflag:s22] =	ssyncadd.s32 s3;
	_ =	sdelay $0x1  }
0xa1: {  	s23 =	simm.s32 $0x1B8B  }
0xa2: {  	_ =	swait.ge [sflag:s23], $0x1  }
0xa3: {  	[sflag:s23] =	ssyncset.done $0x0  }
0xa4: {  	s25 =	simm.s32 $0x1B8E;
	s24 =	sld [smem:$0x3FFE];
	[sflag:s23] =	ssyncadd.s32 $0xFFFFFFFF  }
0xa5: {  	s26 =	simm.s32 $execute0_lowered;
	[smem:$0x3FD2] =	sst s25  }
0xa6: {  	s4 =	sshll.u32 s26, $0x1;
	_ =	strace $0x80000046;
	[dreg:$0x1] =	wrdreg $0xFFFFFFFF  }
0xa7: {  	s28 =	simm.s32 $_size_execute0_lowered;
	s2 =	sadd.s32 s2, s4;
	[dreg:$0x0] =	wrdreg $0x0  }
0xa8: {  	s4 =	sshll.u32 s28, $0x1;
	[dreg:$0x2] =	wrdreg s2  }
0xa9: {  	[dreg:$0x3] =	wrdreg s4  }
0xaa: {  	[dreg:$0x4] =	wrdreg $0xC0  }
0xab: {  	_ =	task [dreg:s6], $0x5FFFF  }
0xac: {  	[dreg:$0x1] =	wrdreg $0xFFFFFFFF  }
0xad: {  	[dreg:$0x0] =	wrdreg $0x60  }
0xae: {  	[dreg:$0x2] =	wrdreg s24  }
0xaf: {  	[dreg:$0x3] =	wrdreg $0x68000  }
0xb0: {  	[dreg:$0x4] =	wrdreg $0x9  }
0xb1: {  	_ =	task.clear_ibuf [dreg:s6], $0x5FFFF;
	_ =	strace $0x90000046  }
0xb2: {  	s29 =	simm.s32 $0x9;
	_ =	strace $0x80000048  }
0xb3: {  	_ =	swait.ge [sflag:s29], $0x1  }
0xb4: {  	[sflag:s29] =	ssyncadd.s32 $0xFFFFFFFF  }
0xb5: {  	_ =	strace $0x90000048  }
0xb6: {  	_ =	sfence  }
0xb7: {  	s30 =	sld [smem:$0x0];
	_ =	sdelay $0x2  }
0xb8: {  	s31 =	sshll.u32 s1, $0xD;
	s1 =	sshrl.u32 s1, $0x2  }
0xb9: {  	s3 =	sand.u32 $0x4000, s31;
	s1 =	sadd.s32 s1, s30  }
0xba: {  	s0 =	sor.u32 s3, s0;
	s1 =	sshll.u32 s1, $0x11  }
0xbb: {  	s0 =	sor.u32 s1, s0  }
0xbc: {  	s0 =	sadd.s32 $0x8F2B, s0  }
0xbd: {  	[sflag:s0] =	ssyncadd.remote.s32 $0x1  }
0xbe: {  	_ =	sfence.sel $0xFFFF  }
0xbf: {  	[dreg:$0x0] =	wrdreg $0xFFFFFFFF;
	(pc) =	sbr.abs _section_cstart, $3  }
0xc0: {  	[dreg:$0x1] =	wrdreg $0xFFFFFFFF  }
0xc1: {  	_ =	task.clear_ibuf [dreg:s6], $0x2FFFF;
	_ =	strace $0x9FFFFFFF  }
0xc2: {  	(tm) =	ssettm $0x7FFFFFFF  }
0xc3: {  	_ =	shalt  }
tec
execute0_lowered:
.L_overlay_start_1:
0x0: {  	(tag) =	ssettag $0x1  }
0x1: {  	s5 =	rddreg [dreg:$0x0]  }
0x2: {  	s0 =	srdreg.scid;
	s2 =	rddreg [dreg:$0x1]  }
0x3: {  	s3 =	simm.s32 $0x0;
	s13 =	simm.s32 $0x3;
	s4 =	sand.u32 $0x1, s0  }
0x4: {  	s14 =	simm.s32 $0x80;
	s0 =	stileid.u32;
	s7 =	smul.u32 $0x140000, s4  }
0x5: {  	s15 =	simm.s32 $0x1;
	s16 =	simm.s32 $0x2;
	s8 =	smul.u32 $0x14000, s0  }
0x6: {  	[smem:$0x7FF] =	sst s3;
	s1 =	sshll.u32 s4, $0x4;
	s9 =	smul.u32 $0x50000, s0  }
0x7: {  	s4 =	ssub.s32 $0x2, s4;
	s17 =	sshll.u32 s0, $0x6;
	s1 =	sor.u32 s0, s1  }
0x8: {  	s30 =	sshrl.u32 s4, $0x1;
	s17 =	sor.u32 $0x1C03, s17;
	s6 =	smul.u32 $0x500, s1  }
0x9: {  	s1 =	rddreg [dreg:$0x2];
	_ =	strace $0x80000047;
	s31 =	sshrl.u32 s9, $0x2  }
0xa: {  	s29 =	sadd.s32 s8, s7;
	s12 =	ssub.s32 s4, s30;
	s4 =	sadd.s32 s31, s2  }
0xb: {  	s10 =	sadd.s32 s6, s5;
	s6 =	sshrl.u32 s29, $0x3;
	s7 =	sadd.s32 $0xC000, s4  }
0xc: {  	s8 =	sadd.s32 $0x10000, s4;
	s18 =	sshrl.u32 s4, $0x3;
	s11 =	sadd.s32 s6, s5  }
0xd: {  	s5 =	sadd.s32 $0x4000, s4;
	s6 =	sadd.s32 $0x8000, s4;
	s9 =	sadd.s32 $0x3A00, s10  }
0xe: {  	v0 =	vimm.f32 $0.0e+00;
	v1 =	vimm.f32 $1.000000000e+00;
	s10 =	sadd.s32 $0x17A00, s11;
	s11 =	smax.u32 s12, $0x1;
	s12 =	simm.s32 $0x2800  }
.LBB2_1:
0xf: {  	s19 =	simm.s32 $0x0;
	s20 =	simm.s32 $0x200  }
.LBB2_2:
0x10: {  	p0 =	sne.s32 s20, $0xFE00;
	[tilespmem:s19+$0x2870] =	vst v0  }
0x11: {  	[tilespmem:s19+$0x2800] =	vst v0  }
0x12: {  	[tilespmem:s19+$0x2810] =	vst v0  }
.Ltmp0:
0x13: {  	[tilespmem:s19+$0x2820] =	vst v0;
	(pc) =	sbr.rel @p0 .LBB2_2-.Ltmp0, $4  }
0x14: {  	[tilespmem:s19+$0x2830] =	vst v0  }
0x15: {  	[tilespmem:s19+$0x2840] =	vst v0  }
0x16: {  	[tilespmem:s19+$0x2850] =	vst v0  }
0x17: {  	[tilespmem:s19+$0x2860] =	vst v0;
	s19 =	sshra.s32 s20, $0x2;
	s20 =	sadd.s32 $0x200, s20  }
0x18: {  	[tilespmem:s19+$0x2870] =	vst v0  }
0x19: {  	[tilespmem:s19+$0x2800] =	vst v0  }
0x1a: {  	[tilespmem:s19+$0x2810] =	vst v0  }
0x1b: {  	[tilespmem:s19+$0x2820] =	vst v0  }
0x1c: {  	[tilespmem:s19+$0x2830] =	vst v0  }
0x1d: {  	[tilespmem:s19+$0x2840] =	vst v0  }
0x1e: {  	[tilespmem:s19+$0x2850] =	vst v0  }
0x1f: {  	[tilespmem:s19+$0x2860] =	vst v0  }
0x20: {  	[spmem:s4] =	stream.linear.scatter [tilespmem:s12], [sflag:$0x3], $0x4000, $0x38;
	[tilespmem:$0x1A800] =	vst v63  }
0x21: {  	_ =	swait.ge [sflag:s13], $0x4000  }
0x22: {  	[sflag:s13] =	ssyncset.done $0x0  }
0x23: {  	[sflag:s13] =	ssyncadd.s32 $0xFFFFC000  }
0x24: {  	[spmem:s5] =	stream.linear.scatter [tilespmem:s12], [sflag:$0x3], $0x4000, $0x38;
	[tilespmem:$0x1A800] =	vst v63  }
0x25: {  	_ =	swait.ge [sflag:s13], $0x4000  }
0x26: {  	[sflag:s13] =	ssyncset.done $0x0  }
0x27: {  	[sflag:s13] =	ssyncadd.s32 $0xFFFFC000  }
0x28: {  	[spmem:s6] =	stream.linear.scatter [tilespmem:s12], [sflag:$0x3], $0x4000, $0x38;
	[tilespmem:$0x1A800] =	vst v63  }
0x29: {  	_ =	swait.ge [sflag:s13], $0x4000  }
0x2a: {  	[sflag:s13] =	ssyncset.done $0x0  }
0x2b: {  	[sflag:s13] =	ssyncadd.s32 $0xFFFFC000  }
0x2c: {  	[spmem:s7] =	stream.linear.scatter [tilespmem:s12], [sflag:$0x3], $0x4000, $0x38;
	[tilespmem:$0x1A800] =	vst v63  }
0x2d: {  	_ =	swait.ge [sflag:s13], $0x4000  }
0x2e: {  	[sflag:s13] =	ssyncset.done $0x0  }
0x2f: {  	[sflag:s13] =	ssyncadd.s32 $0xFFFFC000  }
0x30: {  	[spmem:s8] =	stream.linear.scatter [tilespmem:s12], [sflag:$0x3], $0x4000, $0x38;
	[tilespmem:$0x1A800] =	vst v63  }
0x31: {  	_ =	swait.ge [sflag:s13], $0x4000  }
0x32: {  	[sflag:s13] =	ssyncset.done $0x0  }
0x33: {  	s19 =	simm.s32 $0x0;
	s20 =	simm.s32 $0x200;
	[sflag:s13] =	ssyncadd.s32 $0xFFFFC000  }
.LBB2_4:
0x34: {  	p0 =	sne.s32 s20, $0xFE00;
	[tilespmem:s19+$0x2870] =	vst v1  }
0x35: {  	[tilespmem:s19+$0x2800] =	vst v1  }
0x36: {  	[tilespmem:s19+$0x2810] =	vst v1  }
.Ltmp1:
0x37: {  	[tilespmem:s19+$0x2820] =	vst v1;
	(pc) =	sbr.rel @p0 .LBB2_4-.Ltmp1, $4  }
0x38: {  	[tilespmem:s19+$0x2830] =	vst v1  }
0x39: {  	[tilespmem:s19+$0x2840] =	vst v1  }
0x3a: {  	[tilespmem:s19+$0x2850] =	vst v1  }
0x3b: {  	[tilespmem:s19+$0x2860] =	vst v1;
	s19 =	sshra.s32 s20, $0x2;
	s20 =	sadd.s32 $0x200, s20  }
0x3c: {  	[tilespmem:s19+$0x2870] =	vst v1  }
0x3d: {  	[tilespmem:s19+$0x2800] =	vst v1  }
0x3e: {  	[tilespmem:s19+$0x2810] =	vst v1  }
0x3f: {  	[tilespmem:s19+$0x2820] =	vst v1  }
0x40: {  	[tilespmem:s19+$0x2830] =	vst v1  }
0x41: {  	[tilespmem:s19+$0x2840] =	vst v1  }
0x42: {  	[tilespmem:s19+$0x2850] =	vst v1  }
0x43: {  	[tilespmem:s19+$0x2860] =	vst v1;
	s29 =	simm.s32 $0x0  }
0x44: {  	[tilespmem:s29], [sflag:$0x3] =	stream.linear.gather [hbm4b:s9+s29], $0x2800, $0x38;
	[tilespmem:$0x1A800] =	vst v63  }
0x45: {  	_ =	swait.ge [sflag:s13], $0x2800  }
0x46: {  	[sflag:s13] =	ssyncset.done $0x0  }
0x47: {  	[sflag:s13] =	ssyncadd.s32 $0xFFFFD800  }
0x48: {  	s30 =	simm.s32 $0x0;
	[bflag:$0x0] =	sbarrier.arrive $0xFFFF  }
0x49: {  	[spmem:s2] =	stream.indirect.scatter.add.f32 [tilespmem:s12], [sflag:$0x1], $0x80, s30, s14, $0xb8;
	[tilespmem:$0x1A800] =	vst v63  }
0x4a: {  	s31 =	simm.s32 $0x80  }
0x4b: {  	[spmem:s2] =	stream.indirect.scatter.add.f32 [tilespmem:s12], [sflag:$0x2], $0x80, s31, s14, $0xb8;
	[tilespmem:$0x1A800] =	vst v63  }
0x4c: {  	_ =	swait.ge [sflag:s15], $0x4000  }
0x4d: {  	[sflag:s15] =	ssyncset.done $0x0  }
0x4e: {  	[sflag:s15] =	ssyncadd.s32 $0xFFFFC000  }
0x4f: {  	_ =	swait.ge [sflag:s16], $0x4000  }
0x50: {  	s19 =	simm.s32 $0x400;
	s20 =	simm.s32 $0x800;
	[sflag:s16] =	ssyncset.done $0x0  }
.LBB2_6:
0x51: {  	s21 =	sshra.s32 s19, $0x2  }
0x52: {  	[sflag:s16] =	ssyncadd.s32 $0xFFFFC000;
	s19 =	smov.u32 s20;
	s22 =	sadd.s32 $0x400, s20  }
0x53: {  	[spmem:s2] =	stream.indirect.scatter.add.f32 [tilespmem:s12], [sflag:$0x1], $0x80, s21, s14, $0xb8;
	[tilespmem:$0x1A800] =	vst v63  }
0x54: {  	p0 =	sne.s32 s20, $0x9C00;
	s20 =	sadd.s32 $0x80, s21  }
0x55: {  	[spmem:s2] =	stream.indirect.scatter.add.f32 [tilespmem:s12], [sflag:$0x2], $0x80, s20, s14, $0xb8;
	[tilespmem:$0x1A800] =	vst v63  }
.Ltmp2:
0x56: {  	_ =	swait.ge [sflag:s15], $0x4000;
	(pc) =	sbr.rel @p0 .LBB2_6-.Ltmp2, $4  }
0x57: {  	[sflag:s15] =	ssyncset.done $0x0  }
0x58: {  	[sflag:s15] =	ssyncadd.s32 $0xFFFFC000  }
0x59: {  	_ =	swait.ge [sflag:s16], $0x4000  }
0x5a: {  	s20 =	smov.u32 s22;
	[sflag:s16] =	ssyncset.done $0x0  }
0x5b: {  	s19 =	sshra.s32 s19, $0x2;
	[sflag:s16] =	ssyncadd.s32 $0xFFFFC000  }
0x5c: {  	[spmem:s2] =	stream.indirect.scatter.add.f32 [tilespmem:s12], [sflag:$0x1], $0x80, s19, s14, $0xb8;
	[tilespmem:$0x1A800] =	vst v63  }
0x5d: {  	s19 =	sadd.s32 $0x80, s19  }
0x5e: {  	[spmem:s2] =	stream.indirect.scatter.add.f32 [tilespmem:s12], [sflag:$0x2], $0x80, s19, s14, $0xb8;
	[tilespmem:$0x1A800] =	vst v63  }
0x5f: {  	_ =	swait.ge [sflag:s15], $0x4000  }
0x60: {  	[sflag:s15] =	ssyncset.done $0x0  }
0x61: {  	[sflag:s15] =	ssyncadd.s32 $0xFFFFC000  }
0x62: {  	_ =	swait.ge [sflag:s16], $0x4000  }
0x63: {  	s3 =	sadd.s32 $0x1, s3;
	[sflag:s16] =	ssyncset.done $0x0  }
0x64: {  	p0 =	sne.s32 s3, s11;
	[sflag:s16] =	ssyncadd.s32 $0xFFFFC000  }
.Ltmp3:
0x65: {  	[bflag:$0x0] =	sbarrier.arrive $0xFFFF;
	(pc) =	sbr.rel @p0 .LBB2_1-.Ltmp3, $4  }
0x66: {  	[hbm:s10], [sflag:s17] =	dma.local [spmem:s18], $0x2800  }
0x67: {  	_ =	swait.ge [sflag:s13], $0x2800  }
0x68: {  	[sflag:s13] =	ssyncset.done $0x0  }
0x69: {  	[sflag:s13] =	ssyncadd.s32 $0xFFFFD800  }
0x6a: {  	_ =	sfence.sel $0x180000  }
0x6b: {  	[bflag:$0x0] =	sbarrier.arrive $0xFFFF  }
0x6c: {  	p0 =	sne.s32 s0, $0x0;
	_ =	strace $0x90000047  }
0x6d: {  	s0 =	sadd.s32 @!p0 $0x100000, s1;
	[bflag:$0x2] =	sbarrier.arrive $0xFFFF  }
0x6e: {  	[sflag:s0] =	ssyncadd.tile.s32 @!p0 $0x1;
	_ =	shalt  }
.Lfunc_end2:
_tile_overlayer_lowered:
.L_overlay_start_2:
0x6f: {  	(tag) =	ssettag $0x2  }
0x70: {  	s0 =	rddreg [dreg:$0x0];
	s2 =	stileid.u32  }
0x71: {  	s1 =	rddreg [dreg:$0x1];
	p0 =	sne.s32 s2, $0x0  }
0x72: {  	s3 =	rddreg [dreg:$0x2];
	[bflag:$0x3] =	sbarrier.arrive $0xFFFF;
	s2 =	simm.s32 @!p0 $0x1C03  }
0x73: {  	[timem:s3], [sflag:s2] =	dma.local @!p0 [hbm:s0], s1  }
0x74: {  	s0 =	simm.s32 @!p0 $0x3  }
0x75: {  	_ =	swait.ge @!p0 [sflag:s0], s1  }
0x76: {  	s1 =	ssub.s32 @!p0 $0x0, s1;
	[sflag:s0] =	ssyncset.done @!p0 $0x0  }
0x77: {  	[sflag:s0] =	ssyncadd.s32 @!p0 s1  }
0x78: {  	[bflag:$0x3] =	sbarrier.arrive $0xFFFF  }
0x79: {  	_ =	shalt  }

</sc_bundles>
